<compile_context>
chip_gen: v7x
topology: tpu7x:2x2x1
jax: 0.10.2.dev20260603
libtpu: 0.0.44.dev20260713+nightly
codegen_flags: <defaults>
</compile_context>

<pallas_src>
import functools

import jax
import jax.numpy as jnp
from jax import lax
from jax.experimental import pallas as pl
from jax.experimental.pallas import tpu as pltpu
from jax.experimental.pallas import tpu_sc as plsc

F32 = jnp.float32


def _x_body(n_ref, w_ref, x_ref):
    xm = jnp.dot(n_ref[...], w_ref[...], preferred_element_type=F32)
    x_ref[...] = jnp.concatenate([xm, jnp.zeros_like(xm)], axis=1)


def _node_linear(node_input, w_in):
    N, C = node_input.shape
    return pl.pallas_call(
        _x_body,
        out_shape=jax.ShapeDtypeStruct((N, 2 * C), F32),
    )(node_input, w_in)


def _m_body(attr_ref, w0_ref, w1_ref, w2a_ref, w2b_ref, m_ref):
    B = attr_ref.shape[0]
    a = attr_ref[...]
    h = a[:, 0:1] * w0_ref[...]
    h = h * jax.nn.sigmoid(h)
    h = jnp.dot(h, w1_ref[...], preferred_element_type=F32)
    h = h * jax.nn.sigmoid(h)
    f0 = jnp.dot(h, w2a_ref[...], preferred_element_type=F32)
    f1 = jnp.dot(h, w2b_ref[...], preferred_element_type=F32)
    lo = jax.lax.broadcasted_iota(jnp.int32, (B, 128), 1) < 64
    one = jnp.ones((B, 128), F32)
    v0 = jnp.broadcast_to(a[:, 1:2], (B, 128))
    v1 = jnp.broadcast_to(a[:, 2:3], (B, 128))
    v2 = jnp.broadcast_to(a[:, 3:4], (B, 128))
    m0 = f0 * jnp.where(lo, one, v0)
    m1 = f1 * jnp.where(lo, v1, v2)
    m_ref[...] = jnp.stack([m0, m1], axis=0)


def _edge_multipliers(edge_attr, w0, w1, w2a, w2b):
    E = edge_attr.shape[0]
    B = 2000
    grid = E // B
    return pl.pallas_call(
        _m_body,
        grid=(grid,),
        in_specs=[
            pl.BlockSpec((B, 4), lambda i: (i, 0)),
            pl.BlockSpec((1, 64), lambda i: (0, 0)),
            pl.BlockSpec((64, 64), lambda i: (0, 0)),
            pl.BlockSpec((64, 128), lambda i: (0, 0)),
            pl.BlockSpec((64, 128), lambda i: (0, 0)),
        ],
        out_specs=pl.BlockSpec((2, B, 128), lambda i: (0, i, 0)),
        out_shape=jax.ShapeDtypeStruct((2, E, 128), F32),
    )(edge_attr, w0, w1, w2a, w2b)


def _sc_body(E, N, x_hbm, m_hbm, src_hbm, dst_hbm, agg_hbm,
             acc, sidx, didx, xs, mv, zb,
             sem_g, sem_m, sem_i, sem_z):
    CH = 80
    SUB = 16
    NSUB = CH // SUB
    per_tile = E // 16
    iters = per_tile // CH
    SLAB = 624
    ZB = 48
    tail0 = 16 * SLAB
    tail_n = N - tail0

    c = lax.axis_index("c")
    s = lax.axis_index("s")
    tile_base = s * per_tile

    def _fire_idx(t, b):
        base = tile_base + t * CH
        pltpu.async_copy(src_hbm.at[pl.ds(base, CH)], sidx.at[b], sem_i.at[b])
        pltpu.async_copy(dst_hbm.at[pl.ds(base, CH)], didx.at[b], sem_i.at[b])

    def _wait_idx(b):
        pltpu.make_async_copy(src_hbm.at[pl.ds(0, CH)], sidx.at[b],
                              sem_i.at[b]).wait()
        pltpu.make_async_copy(dst_hbm.at[pl.ds(0, CH)], didx.at[b],
                              sem_i.at[b]).wait()

    def _fire_data(t, b):
        base = tile_base + t * CH
        pltpu.async_copy(x_hbm.at[sidx.at[b]], xs.at[b], sem_g.at[b])
        pltpu.async_copy(m_hbm.at[c, pl.ds(base, CH)], mv.at[b], sem_m.at[b])

    def _wait_data(b):
        pltpu.make_async_copy(x_hbm.at[sidx.at[b]], xs.at[b], sem_g.at[b]).wait()
        pltpu.make_async_copy(m_hbm.at[c, pl.ds(0, CH)], mv.at[b],
                              sem_m.at[b]).wait()

    pltpu.sync_copy(src_hbm.at[pl.ds(tile_base, CH)], sidx.at[0])
    pltpu.sync_copy(dst_hbm.at[pl.ds(tile_base, CH)], didx.at[0])
    _fire_data(0, 0)
    _fire_idx(1, 1)

    zero16 = jnp.zeros((16,), F32)

    def _zrow(r, carry):
        for j in range(8):
            zb[r, pl.ds(j * 16, 16)] = zero16
        return carry

    lax.fori_loop(0, ZB, _zrow, 0)
    for k in range(SLAB // ZB):
        pltpu.async_copy(zb, acc.at[pl.ds(s * SLAB + k * ZB, ZB)], sem_z)
    for k in range(SLAB // ZB):
        pltpu.make_async_copy(zb, acc.at[pl.ds(0, ZB)], sem_z).wait()

    @pl.when(s == 0)
    def _zero_tail():
        pltpu.sync_copy(zb.at[pl.ds(0, tail_n)], acc.at[pl.ds(tail0, tail_n)])

    plsc.subcore_barrier()

    def _compute_scatter(b):
        def _edge(i, ecarry):
            xv = [xs[b, i, pl.ds(h * 16, 16)] for h in range(4)]
            for jj in range(8):
                mv[b, i, pl.ds(jj * 16, 16)] = (
                    xv[jj % 4] * mv[b, i, pl.ds(jj * 16, 16)])
            return ecarry

        lax.fori_loop(0, CH, _edge, 0)
        pltpu.sync_copy(mv.at[b], acc.at[didx.at[b]], add=True)

    def _stage(t, b):
        _wait_idx(1 - b)
        _fire_data(t + 1, 1 - b)
        _wait_data(b)
        _compute_scatter(b)

        @pl.when(t + 2 < iters)
        def _prefetch_idx():
            _fire_idx(t + 2, b)

    def _pair(k, carry):
        _stage(2 * k, 0)
        _stage(2 * k + 1, 1)
        return carry

    lax.fori_loop(0, (iters - 1) // 2, _pair, 0)
    _wait_data(0)
    _compute_scatter(0)
    plsc.subcore_barrier()

    pltpu.sync_copy(acc.at[pl.ds(s * SLAB, SLAB)],
                    agg_hbm.at[c, pl.ds(s * SLAB, SLAB)])

    @pl.when(s == 0)
    def _drain_tail():
        pltpu.sync_copy(acc.at[pl.ds(tail0, tail_n)],
                        agg_hbm.at[c, pl.ds(tail0, tail_n)])


def _sc_scatter(x, m, src, dst):
    N = x.shape[0]
    E = src.shape[0]
    CH = 80
    mesh = plsc.VectorSubcoreMesh(core_axis_name="c", subcore_axis_name="s")
    kfn = pl.kernel(
        functools.partial(_sc_body, E, N),
        out_type=jax.ShapeDtypeStruct((2, N, 128), F32),
        mesh=mesh,
        scratch_types=[
            pltpu.VMEM_SHARED((N, 128), F32),
            pltpu.VMEM((2, CH), jnp.int32),
            pltpu.VMEM((2, CH), jnp.int32),
            pltpu.VMEM((2, CH, 128), F32),
            pltpu.VMEM((2, CH, 128), F32),
            pltpu.VMEM((48, 128), F32),
            pltpu.SemaphoreType.DMA((2,)),
            pltpu.SemaphoreType.DMA((2,)),
            pltpu.SemaphoreType.DMA((2,)),
            pltpu.SemaphoreType.DMA,
        ],
    )
    return kfn(x, m, src, dst)


def _out_body(agg_ref, u0_ref, u1_ref, o_ref):
    o_ref[...] = (
        jnp.dot(agg_ref[0], u0_ref[...], preferred_element_type=F32)
        + jnp.dot(agg_ref[1], u1_ref[...], preferred_element_type=F32))


def _final_linear(agg, u0, u1):
    N = agg.shape[1]
    B = 2000
    grid = N // B
    return pl.pallas_call(
        _out_body,
        grid=(grid,),
        in_specs=[
            pl.BlockSpec((2, B, 128), lambda i: (0, i, 0)),
            pl.BlockSpec((128, 256), lambda i: (0, 0)),
            pl.BlockSpec((128, 256), lambda i: (0, 0)),
        ],
        out_specs=pl.BlockSpec((B, 256), lambda i: (i, 0)),
        out_shape=jax.ShapeDtypeStruct((N, 256), F32),
    )(agg, u0, u1)


def kernel(node_input, edge_src, edge_dst, edge_attr,
           W_in, W_mlp0, W_mlp1, W_mlp2, W_out_scal, W_out_vec):
    N, C = node_input.shape
    E = edge_src.shape[0]

    inv_sqrt_c = 1.0 / jnp.sqrt(jnp.float32(C))
    x = _node_linear(node_input, W_in * inv_sqrt_c)

    w2n = W_mlp2 * (0.25 / jnp.sqrt(jnp.float32(64)))
    w1n = W_mlp1 * (1.0 / jnp.sqrt(jnp.float32(64)))
    w2a = jnp.concatenate([w2n[:, 64:128], w2n[:, 0:64]], axis=1)
    w2b = jnp.concatenate([w2n[:, 0:64], w2n[:, 0:64]], axis=1)
    m = _edge_multipliers(edge_attr, W_mlp0, w1n, w2a, w2b)

    src = edge_src.astype(jnp.int32)
    dst = edge_dst.astype(jnp.int32)
    agg = _sc_scatter(x, m, src, dst)

    wsn = W_out_scal * inv_sqrt_c
    wvn = W_out_vec * inv_sqrt_c
    z64 = jnp.zeros((64, 64), F32)

    def ilv(k):
        parts = [z64, z64, z64]
        parts[k] = wvn
        return jnp.stack(parts, axis=-1).reshape(64, 192)

    u0 = jnp.concatenate(
        [jnp.concatenate([wsn, jnp.zeros((64, 192), F32)], axis=1),
         jnp.concatenate([z64, ilv(0)], axis=1)], axis=0)
    u1 = jnp.concatenate(
        [jnp.concatenate([z64, ilv(1)], axis=1),
         jnp.concatenate([z64, ilv(2)], axis=1)], axis=0)
    return _final_linear(agg, u0, u1)

# --- scband reference (transcript-rebuilt; emitter-appended) ---
"""Pipeline reference for scband-convolution-59914793779562 (READ-ONLY COPY).

The authoritative reference and input builder live on the scoring server;
editing this copy changes nothing except your own understanding.
"""

import jax, jax.numpy as jnp
import numpy as np

NUM_NEIGHBORS = 16.0

def setup_inputs(seed: int = 0) -> dict:
    key = jax.random.key(seed)
    ks = jax.random.split(key, 10)
    N, E, C = 10000, 160000, 64
    node_input = jax.random.normal(ks[0], (N, C), dtype=jnp.float32)
    edge_src = jax.random.randint(ks[1], (E,), 0, N)
    edge_dst = jax.random.randint(ks[2], (E,), 0, N)
    edge_attr = jax.random.normal(ks[3], (E, 4), dtype=jnp.float32)
    W_in = jax.random.normal(ks[4], (C, C), dtype=jnp.float32)
    W_mlp0 = jax.random.normal(ks[5], (1, 64), dtype=jnp.float32)
    W_mlp1 = jax.random.normal(ks[6], (64, 64), dtype=jnp.float32)
    W_mlp2 = jax.random.normal(ks[7], (64, 128), dtype=jnp.float32)
    W_out_scal = jax.random.normal(ks[8], (C, C), dtype=jnp.float32)
    W_out_vec = jax.random.normal(ks[9], (C, C), dtype=jnp.float32)
    return {"node_input": node_input, "edge_src": edge_src, "edge_dst": edge_dst,
            "edge_attr": edge_attr, "W_in": W_in, "W_mlp0": W_mlp0, "W_mlp1": W_mlp1,
            "W_mlp2": W_mlp2, "W_out_scal": W_out_scal, "W_out_vec": W_out_vec}

def reference(node_input, edge_src, edge_dst, edge_attr, W_in, W_mlp0, W_mlp1, W_mlp2, W_out_scal, W_out_vec):
    N, C = node_input.shape
    # e3nn.Linear on 64x0e (fan-in normalized, no bias)
    x = node_input @ (W_in / jnp.sqrt(C))
    # edge_attr = 1x0e + 1x1o -> filter invariant / equivariant parts
    edge_inv = edge_attr[:, :1]   # [E,1] scalar (0e)
    edge_vec = edge_attr[:, 1:4]  # [E,3] vector (1o)
    xs = x[edge_src]              # gather [E,C]
    # tensor_product(64x0e, 1x1o) -> 64x1o : outer product (CG coeff = 1)
    msg_vec = xs[:, :, None] * edge_vec[:, None, :]  # [E,C,3]
    # concatenate([64x1o, 64x0e]) -> num_irreps = 128
    # MultiLayerPerceptron([64,64,128], silu, no output act), fan-in normalized
    h = jax.nn.silu(edge_inv @ (W_mlp0 / jnp.sqrt(1.0)))
    h = jax.nn.silu(h @ (W_mlp1 / jnp.sqrt(64.0)))
    f = h @ (W_mlp2 / jnp.sqrt(64.0))  # [E,128]
    f_vec = f[:, :C]
    f_scal = f[:, C:]
    # elementwise_tensor_product(messages, 128x0e factors)
    msg_vec = msg_vec * f_vec[:, :, None]  # [E,C,3]
    msg_scal = xs * f_scal                 # [E,C]
    # scatter-add to dst nodes, / sqrt(num_neighbors)
    agg_vec = jnp.zeros((N, C, 3), dtype=msg_vec.dtype).at[edge_dst].add(msg_vec) / jnp.sqrt(NUM_NEIGHBORS)
    agg_scal = jnp.zeros((N, C), dtype=msg_scal.dtype).at[edge_dst].add(msg_scal) / jnp.sqrt(NUM_NEIGHBORS)
    # final e3nn.Linear to 64x0e + 64x1o (mixes within each l)
    out_scal = agg_scal @ (W_out_scal / jnp.sqrt(C))          # [N,64]
    out_vec = jnp.einsum('nuc,uv->nvc', agg_vec, W_out_vec) / jnp.sqrt(C)  # [N,64,3]
    return jnp.concatenate([out_scal, out_vec.reshape(N, C * 3)], axis=-1)  # [N,256]

if __name__ == "__main__":
    import jax
    _d = setup_inputs()
    print(jax.jit(kernel)(*tuple(_d.values())))

</pallas_src>

<mosaic_0001>
#map = affine_map<(d0, d1) -> (0, 0)>
#map1 = affine_map<(d0, d1) -> (0, 0, 0)>
#map2 = affine_map<(d0, d1) -> (0)>
module attributes {stable_mosaic.version = 14 : i64} {
  func.func @_sc_body(%arg0: i32, %arg1: i32, %arg2: memref<10000x128xf32, #tpu.memory_space<hbm>>, %arg3: memref<2x160000x128xf32, #tpu.memory_space<hbm>>, %arg4: memref<160000xi32, #tpu.memory_space<hbm>>, %arg5: memref<160000xi32, #tpu.memory_space<hbm>>, %arg6: memref<2x10000x128xf32, #tpu.memory_space<hbm>>, %arg7: memref<10000x128xf32, #tpu.memory_space<vmem_shared>>, %arg8: memref<2x80xi32, #tpu.memory_space<vmem>>, %arg9: memref<2x80xi32, #tpu.memory_space<vmem>>, %arg10: memref<2x80x128xf32, #tpu.memory_space<vmem>>, %arg11: memref<2x80x128xf32, #tpu.memory_space<vmem>>, %arg12: memref<48x128xf32, #tpu.memory_space<vmem>>, %arg13: memref<2x!tpu.dma_semaphore, #tpu.memory_space<semaphore_mem>>, %arg14: memref<2x!tpu.dma_semaphore, #tpu.memory_space<semaphore_mem>>, %arg15: memref<2x!tpu.dma_semaphore, #tpu.memory_space<semaphore_mem>>, %arg16: memref<!tpu.dma_semaphore, #tpu.memory_space<semaphore_mem>>) attributes {dimension_semantics = [#tpu.dimension_semantics<core_parallel>, #tpu.dimension_semantics<subcore_parallel>], iteration_bounds = array<i64: 2, 16>, scalar_prefetch = 0 : i64, scratch_operands = 10 : i64, tpu.core_type = #tpu.core_type<sc_vector_subcore>, window_params = [{transform_indices = #map}, {transform_indices = #map1}, {transform_indices = #map2}, {transform_indices = #map2}, {transform_indices = #map1}]} {
    %mul3A = arith.constant 10000 : i32
    %mul3A_0 = arith.muli %arg1, %mul3A : i32
    %run_scoped3A = arith.constant 0 : i32
    "tpu.region"() ({
      %run_scoped3A_309 = tpu.sem_alloc : memref<!tpu.dma_semaphore, #tpu.memory_space<semaphore_mem>>
      %dma_start3A_310 = arith.constant 0 : i32
      %dma_start3A_311 = tpu.memref_slice %arg8[%run_scoped3A, %dma_start3A_310] : memref<2x80xi32, #tpu.memory_space<vmem>> -> memref<1x80xi32, #tpu.memory_space<vmem>>
      %dma_start3A_312 = tpu.memref_squeeze %dma_start3A_311 : memref<1x80xi32, #tpu.memory_space<vmem>> -> memref<80xi32, #tpu.memory_space<vmem>>
      %dma_start3A_313 = tpu.memref_slice %arg4[%mul3A_0] : memref<160000xi32, #tpu.memory_space<hbm>> -> memref<80xi32, #tpu.memory_space<hbm>>
      %dma_start3A_314 = arith.constant 0 : i32
      %dma_start3A_315 = tpu.memref_slice %arg8[%run_scoped3A, %dma_start3A_314] : memref<2x80xi32, #tpu.memory_space<vmem>> -> memref<1x80xi32, #tpu.memory_space<vmem>>
      %dma_start3A_316 = tpu.memref_squeeze %dma_start3A_315 : memref<1x80xi32, #tpu.memory_space<vmem>> -> memref<80xi32, #tpu.memory_space<vmem>>
      %dma_start3A_317 = tpu.memref_slice %arg4[%mul3A_0] : memref<160000xi32, #tpu.memory_space<hbm>> -> memref<80xi32, #tpu.memory_space<hbm>>
      tpu.enqueue_dma source(%dma_start3A_317 : memref<80xi32, #tpu.memory_space<hbm>>) target(%dma_start3A_316 : memref<80xi32, #tpu.memory_space<vmem>>) target_semaphore(%run_scoped3A_309 : memref<!tpu.dma_semaphore, #tpu.memory_space<semaphore_mem>>)
      %dma_wait3A_318 = arith.constant 0 : i32
      %dma_wait3A_319 = tpu.memref_slice %arg8[%run_scoped3A, %dma_wait3A_318] : memref<2x80xi32, #tpu.memory_space<vmem>> -> memref<1x80xi32, #tpu.memory_space<vmem>>
      %dma_wait3A_320 = tpu.memref_squeeze %dma_wait3A_319 : memref<1x80xi32, #tpu.memory_space<vmem>> -> memref<80xi32, #tpu.memory_space<vmem>>
      %dma_wait3A_321 = tpu.memref_slice %arg4[%mul3A_0] : memref<160000xi32, #tpu.memory_space<hbm>> -> memref<80xi32, #tpu.memory_space<hbm>>
      %dma_wait3A_322 = arith.constant 0 : i32
      %dma_wait3A_323 = tpu.memref_slice %arg8[%run_scoped3A, %dma_wait3A_322] : memref<2x80xi32, #tpu.memory_space<vmem>> -> memref<1x80xi32, #tpu.memory_space<vmem>>
      %dma_wait3A_324 = tpu.memref_squeeze %dma_wait3A_323 : memref<1x80xi32, #tpu.memory_space<vmem>> -> memref<80xi32, #tpu.memory_space<vmem>>
      %dma_wait3A_325 = tpu.memref_slice %arg4[%mul3A_0] : memref<160000xi32, #tpu.memory_space<hbm>> -> memref<80xi32, #tpu.memory_space<hbm>>
      tpu.wait_dma2 semaphore(%run_scoped3A_309 : memref<!tpu.dma_semaphore, #tpu.memory_space<semaphore_mem>>) src(%dma_wait3A_325 : memref<80xi32, #tpu.memory_space<hbm>>) dst(%dma_wait3A_324 : memref<80xi32, #tpu.memory_space<vmem>>)
      tpu.yield
    }) : () -> ()
    %run_scoped3A_1 = arith.constant 0 : i32
    "tpu.region"() ({
      %run_scoped3A_309 = tpu.sem_alloc : memref<!tpu.dma_semaphore, #tpu.memory_space<semaphore_mem>>
      %dma_start3A_310 = arith.constant 0 : i32
      %dma_start3A_311 = tpu.memref_slice %arg9[%run_scoped3A_1, %dma_start3A_310] : memref<2x80xi32, #tpu.memory_space<vmem>> -> memref<1x80xi32, #tpu.memory_space<vmem>>
      %dma_start3A_312 = tpu.memref_squeeze %dma_start3A_311 : memref<1x80xi32, #tpu.memory_space<vmem>> -> memref<80xi32, #tpu.memory_space<vmem>>
      %dma_start3A_313 = tpu.memref_slice %arg5[%mul3A_0] : memref<160000xi32, #tpu.memory_space<hbm>> -> memref<80xi32, #tpu.memory_space<hbm>>
      %dma_start3A_314 = arith.constant 0 : i32
      %dma_start3A_315 = tpu.memref_slice %arg9[%run_scoped3A_1, %dma_start3A_314] : memref<2x80xi32, #tpu.memory_space<vmem>> -> memref<1x80xi32, #tpu.memory_space<vmem>>
      %dma_start3A_316 = tpu.memref_squeeze %dma_start3A_315 : memref<1x80xi32, #tpu.memory_space<vmem>> -> memref<80xi32, #tpu.memory_space<vmem>>
      %dma_start3A_317 = tpu.memref_slice %arg5[%mul3A_0] : memref<160000xi32, #tpu.memory_space<hbm>> -> memref<80xi32, #tpu.memory_space<hbm>>
      tpu.enqueue_dma source(%dma_start3A_317 : memref<80xi32, #tpu.memory_space<hbm>>) target(%dma_start3A_316 : memref<80xi32, #tpu.memory_space<vmem>>) target_semaphore(%run_scoped3A_309 : memref<!tpu.dma_semaphore, #tpu.memory_space<semaphore_mem>>)
      %dma_wait3A_318 = arith.constant 0 : i32
      %dma_wait3A_319 = tpu.memref_slice %arg9[%run_scoped3A_1, %dma_wait3A_318] : memref<2x80xi32, #tpu.memory_space<vmem>> -> memref<1x80xi32, #tpu.memory_space<vmem>>
      %dma_wait3A_320 = tpu.memref_squeeze %dma_wait3A_319 : memref<1x80xi32, #tpu.memory_space<vmem>> -> memref<80xi32, #tpu.memory_space<vmem>>
      %dma_wait3A_321 = tpu.memref_slice %arg5[%mul3A_0] : memref<160000xi32, #tpu.memory_space<hbm>> -> memref<80xi32, #tpu.memory_space<hbm>>
      %dma_wait3A_322 = arith.constant 0 : i32
      %dma_wait3A_323 = tpu.memref_slice %arg9[%run_scoped3A_1, %dma_wait3A_322] : memref<2x80xi32, #tpu.memory_space<vmem>> -> memref<1x80xi32, #tpu.memory_space<vmem>>
      %dma_wait3A_324 = tpu.memref_squeeze %dma_wait3A_323 : memref<1x80xi32, #tpu.memory_space<vmem>> -> memref<80xi32, #tpu.memory_space<vmem>>
      %dma_wait3A_325 = tpu.memref_slice %arg5[%mul3A_0] : memref<160000xi32, #tpu.memory_space<hbm>> -> memref<80xi32, #tpu.memory_space<hbm>>
      tpu.wait_dma2 semaphore(%run_scoped3A_309 : memref<!tpu.dma_semaphore, #tpu.memory_space<semaphore_mem>>) src(%dma_wait3A_325 : memref<80xi32, #tpu.memory_space<hbm>>) dst(%dma_wait3A_324 : memref<80xi32, #tpu.memory_space<vmem>>)
      tpu.yield
    }) : () -> ()
    %add3A = arith.constant 0 : i32
    %add3A_2 = arith.addi %mul3A_0, %add3A : i32
    %dma_start3A = arith.constant 0 : i32
    %dma_start3A_3 = arith.constant 0 : i32
    %dma_start3A_4 = arith.constant 0 : i32
    %dma_start3A_5 = arith.constant 0 : i32
    %dma_start3A_6 = arith.constant 0 : i32
    %dma_start3A_7 = tpu.memref_slice %arg10[%dma_start3A_3, %dma_start3A_5, %dma_start3A_6] : memref<2x80x128xf32, #tpu.memory_space<vmem>> -> memref<1x80x128xf32, #tpu.memory_space<vmem>>
    %dma_start3A_8 = tpu.memref_squeeze %dma_start3A_7 : memref<1x80x128xf32, #tpu.memory_space<vmem>> -> memref<80x128xf32, #tpu.memory_space<vmem>>
    %dma_start3A_9 = arith.constant 0 : i32
    %dma_start3A_10 = tpu.memref_slice %arg8[%dma_start3A, %dma_start3A_9] : memref<2x80xi32, #tpu.memory_space<vmem>> -> memref<1x80xi32, #tpu.memory_space<vmem>>
    %dma_start3A_11 = tpu.memref_squeeze %dma_start3A_10 : memref<1x80xi32, #tpu.memory_space<vmem>> -> memref<80xi32, #tpu.memory_space<vmem>>
    %dma_start3A_12 = arith.constant 0 : i32
    %dma_start3A_13 = arith.constant 0 : i32
    %dma_start3A_14 = tpu.memref_slice %arg2[%dma_start3A_12, %dma_start3A_13] : memref<10000x128xf32, #tpu.memory_space<hbm>> -> memref<10000x128xf32, #tpu.memory_space<hbm>>
    %dma_start3A_15 = tpu.memref_slice %arg13[%dma_start3A_4] : memref<2x!tpu.dma_semaphore, #tpu.memory_space<semaphore_mem>> -> memref<1x!tpu.dma_semaphore, #tpu.memory_space<semaphore_mem>>
    %dma_start3A_16 = tpu.memref_squeeze %dma_start3A_15 : memref<1x!tpu.dma_semaphore, #tpu.memory_space<semaphore_mem>> -> memref<!tpu.dma_semaphore, #tpu.memory_space<semaphore_mem>>
    tpu.enqueue_indirect_dma source(%dma_start3A_14 : memref<10000x128xf32, #tpu.memory_space<hbm>>) target(%dma_start3A_8 : memref<80x128xf32, #tpu.memory_space<vmem>>) offsets(%dma_start3A_11 : memref<80xi32, #tpu.memory_space<vmem>>) semaphore(%dma_start3A_16 : memref<!tpu.dma_semaphore, #tpu.memory_space<semaphore_mem>>)
    %dma_start3A_17 = arith.constant 0 : i32
    %dma_start3A_18 = arith.constant 0 : i32
    %dma_start3A_19 = arith.constant 0 : i32
    %dma_start3A_20 = arith.constant 0 : i32
    %dma_start3A_21 = tpu.memref_slice %arg11[%dma_start3A_17, %dma_start3A_19, %dma_start3A_20] : memref<2x80x128xf32, #tpu.memory_space<vmem>> -> memref<1x80x128xf32, #tpu.memory_space<vmem>>
    %dma_start3A_22 = tpu.memref_squeeze %dma_start3A_21 : memref<1x80x128xf32, #tpu.memory_space<vmem>> -> memref<80x128xf32, #tpu.memory_space<vmem>>
    %dma_start3A_23 = arith.constant 0 : i32
    %dma_start3A_24 = tpu.memref_slice %arg3[%arg0, %add3A_2, %dma_start3A_23] : memref<2x160000x128xf32, #tpu.memory_space<hbm>> -> memref<1x80x128xf32, #tpu.memory_space<hbm>>
    %dma_start3A_25 = tpu.memref_squeeze %dma_start3A_24 : memref<1x80x128xf32, #tpu.memory_space<hbm>> -> memref<80x128xf32, #tpu.memory_space<hbm>>
    %dma_start3A_26 = tpu.memref_slice %arg14[%dma_start3A_18] : memref<2x!tpu.dma_semaphore, #tpu.memory_space<semaphore_mem>> -> memref<1x!tpu.dma_semaphore, #tpu.memory_space<semaphore_mem>>
    %dma_start3A_27 = tpu.memref_squeeze %dma_start3A_26 : memref<1x!tpu.dma_semaphore, #tpu.memory_space<semaphore_mem>> -> memref<!tpu.dma_semaphore, #tpu.memory_space<semaphore_mem>>
    %dma_start3A_28 = arith.constant 0 : i32
    %dma_start3A_29 = arith.constant 0 : i32
    %dma_start3A_30 = tpu.memref_slice %arg11[%dma_start3A_17, %dma_start3A_28, %dma_start3A_29] : memref<2x80x128xf32, #tpu.memory_space<vmem>> -> memref<1x80x128xf32, #tpu.memory_space<vmem>>
    %dma_start3A_31 = tpu.memref_squeeze %dma_start3A_30 : memref<1x80x128xf32, #tpu.memory_space<vmem>> -> memref<80x128xf32, #tpu.memory_space<vmem>>
    %dma_start3A_32 = arith.constant 0 : i32
    %dma_start3A_33 = tpu.memref_slice %arg3[%arg0, %add3A_2, %dma_start3A_32] : memref<2x160000x128xf32, #tpu.memory_space<hbm>> -> memref<1x80x128xf32, #tpu.memory_space<hbm>>
    %dma_start3A_34 = tpu.memref_squeeze %dma_start3A_33 : memref<1x80x128xf32, #tpu.memory_space<hbm>> -> memref<80x128xf32, #tpu.memory_space<hbm>>
    tpu.enqueue_dma source(%dma_start3A_34 : memref<80x128xf32, #tpu.memory_space<hbm>>) target(%dma_start3A_31 : memref<80x128xf32, #tpu.memory_space<vmem>>) target_semaphore(%dma_start3A_27 : memref<!tpu.dma_semaphore, #tpu.memory_space<semaphore_mem>>)
    %add3A_35 = arith.constant 80 : i32
    %add3A_36 = arith.addi %mul3A_0, %add3A_35 : i32
    %dma_start3A_37 = arith.constant 1 : i32
    %dma_start3A_38 = arith.constant 1 : i32
    %dma_start3A_39 = arith.constant 0 : i32
    %dma_start3A_40 = tpu.memref_slice %arg8[%dma_start3A_37, %dma_start3A_39] : memref<2x80xi32, #tpu.memory_space<vmem>> -> memref<1x80xi32, #tpu.memory_space<vmem>>
    %dma_start3A_41 = tpu.memref_squeeze %dma_start3A_40 : memref<1x80xi32, #tpu.memory_space<vmem>> -> memref<80xi32, #tpu.memory_space<vmem>>
    %dma_start3A_42 = tpu.memref_slice %arg4[%add3A_36] : memref<160000xi32, #tpu.memory_space<hbm>> -> memref<80xi32, #tpu.memory_space<hbm>>
    %dma_start3A_43 = tpu.memref_slice %arg15[%dma_start3A_38] : memref<2x!tpu.dma_semaphore, #tpu.memory_space<semaphore_mem>> -> memref<1x!tpu.dma_semaphore, #tpu.memory_space<semaphore_mem>>
    %dma_start3A_44 = tpu.memref_squeeze %dma_start3A_43 : memref<1x!tpu.dma_semaphore, #tpu.memory_space<semaphore_mem>> -> memref<!tpu.dma_semaphore, #tpu.memory_space<semaphore_mem>>
    %dma_start3A_45 = arith.constant 0 : i32
    %dma_start3A_46 = tpu.memref_slice %arg8[%dma_start3A_37, %dma_start3A_45] : memref<2x80xi32, #tpu.memory_space<vmem>> -> memref<1x80xi32, #tpu.memory_space<vmem>>
    %dma_start3A_47 = tpu.memref_squeeze %dma_start3A_46 : memref<1x80xi32, #tpu.memory_space<vmem>> -> memref<80xi32, #tpu.memory_space<vmem>>
    %dma_start3A_48 = tpu.memref_slice %arg4[%add3A_36] : memref<160000xi32, #tpu.memory_space<hbm>> -> memref<80xi32, #tpu.memory_space<hbm>>
    tpu.enqueue_dma source(%dma_start3A_48 : memref<80xi32, #tpu.memory_space<hbm>>) target(%dma_start3A_47 : memref<80xi32, #tpu.memory_space<vmem>>) target_semaphore(%dma_start3A_44 : memref<!tpu.dma_semaphore, #tpu.memory_space<semaphore_mem>>)
    %dma_start3A_49 = arith.constant 1 : i32
    %dma_start3A_50 = arith.constant 1 : i32
    %dma_start3A_51 = arith.constant 0 : i32
    %dma_start3A_52 = tpu.memref_slice %arg9[%dma_start3A_49, %dma_start3A_51] : memref<2x80xi32, #tpu.memory_space<vmem>> -> memref<1x80xi32, #tpu.memory_space<vmem>>
    %dma_start3A_53 = tpu.memref_squeeze %dma_start3A_52 : memref<1x80xi32, #tpu.memory_space<vmem>> -> memref<80xi32, #tpu.memory_space<vmem>>
    %dma_start3A_54 = tpu.memref_slice %arg5[%add3A_36] : memref<160000xi32, #tpu.memory_space<hbm>> -> memref<80xi32, #tpu.memory_space<hbm>>
    %dma_start3A_55 = tpu.memref_slice %arg15[%dma_start3A_50] : memref<2x!tpu.dma_semaphore, #tpu.memory_space<semaphore_mem>> -> memref<1x!tpu.dma_semaphore, #tpu.memory_space<semaphore_mem>>
    %dma_start3A_56 = tpu.memref_squeeze %dma_start3A_55 : memref<1x!tpu.dma_semaphore, #tpu.memory_space<semaphore_mem>> -> memref<!tpu.dma_semaphore, #tpu.memory_space<semaphore_mem>>
    %dma_start3A_57 = arith.constant 0 : i32
    %dma_start3A_58 = tpu.memref_slice %arg9[%dma_start3A_49, %dma_start3A_57] : memref<2x80xi32, #tpu.memory_space<vmem>> -> memref<1x80xi32, #tpu.memory_space<vmem>>
    %dma_start3A_59 = tpu.memref_squeeze %dma_start3A_58 : memref<1x80xi32, #tpu.memory_space<vmem>> -> memref<80xi32, #tpu.memory_space<vmem>>
    %dma_start3A_60 = tpu.memref_slice %arg5[%add3A_36] : memref<160000xi32, #tpu.memory_space<hbm>> -> memref<80xi32, #tpu.memory_space<hbm>>
    tpu.enqueue_dma source(%dma_start3A_60 : memref<80xi32, #tpu.memory_space<hbm>>) target(%dma_start3A_59 : memref<80xi32, #tpu.memory_space<vmem>>) target_semaphore(%dma_start3A_56 : memref<!tpu.dma_semaphore, #tpu.memory_space<semaphore_mem>>)
    %broadcast_in_dim3A = arith.constant 0.000000e+00 : f32
    %broadcast_in_dim3A_61 = vector.broadcast %broadcast_in_dim3A : f32 to vector<16xf32>
    %scan3A = arith.constant 0 : i32
    %scan3A_62 = arith.constant 0 : i32
    %scan3A_63 = arith.constant 48 : i32
    %scan3A_64 = arith.addi %scan3A_62, %scan3A_63 : i32
    %scan3A_65 = arith.constant 1 : i32
    scf.for %scan3A_309 = %scan3A_62 to %scan3A_64 step %scan3A_65  : i32 {
      %swap3A = arith.index_cast %scan3A_309 : i32 to index
      %swap3A_310 = arith.constant 0 : index
      %swap3A_311 = tpu.vector_load %arg12[%swap3A, %swap3A_310] {strides = array<i32>} : memref<48x128xf32, #tpu.memory_space<vmem>>, vector<1x16xf32>,
      %swap3A_312 = vector.shape_cast %swap3A_311 : vector<1x16xf32> to vector<16xf32>
      %swap3A_313 = vector.shape_cast %broadcast_in_dim3A_61 : vector<16xf32> to vector<1x16xf32>
      tpu.vector_store %arg12[%swap3A, %swap3A_310], %swap3A_313 {strides = array<i32>} : memref<48x128xf32, #tpu.memory_space<vmem>>, vector<1x16xf32>,
      %swap3A_314 = arith.index_cast %scan3A_309 : i32 to index
      %swap3A_315 = arith.constant 16 : index
      %swap3A_316 = tpu.vector_load %arg12[%swap3A_314, %swap3A_315] {strides = array<i32>} : memref<48x128xf32, #tpu.memory_space<vmem>>, vector<1x16xf32>,
      %swap3A_317 = vector.shape_cast %swap3A_316 : vector<1x16xf32> to vector<16xf32>
      %swap3A_318 = vector.shape_cast %broadcast_in_dim3A_61 : vector<16xf32> to vector<1x16xf32>
      tpu.vector_store %arg12[%swap3A_314, %swap3A_315], %swap3A_318 {strides = array<i32>} : memref<48x128xf32, #tpu.memory_space<vmem>>, vector<1x16xf32>,
      %swap3A_319 = arith.index_cast %scan3A_309 : i32 to index
      %swap3A_320 = arith.constant 32 : index
      %swap3A_321 = tpu.vector_load %arg12[%swap3A_319, %swap3A_320] {strides = array<i32>} : memref<48x128xf32, #tpu.memory_space<vmem>>, vector<1x16xf32>,
      %swap3A_322 = vector.shape_cast %swap3A_321 : vector<1x16xf32> to vector<16xf32>
      %swap3A_323 = vector.shape_cast %broadcast_in_dim3A_61 : vector<16xf32> to vector<1x16xf32>
      tpu.vector_store %arg12[%swap3A_319, %swap3A_320], %swap3A_323 {strides = array<i32>} : memref<48x128xf32, #tpu.memory_space<vmem>>, vector<1x16xf32>,
      %swap3A_324 = arith.index_cast %scan3A_309 : i32 to index
      %swap3A_325 = arith.constant 48 : index
      %swap3A_326 = tpu.vector_load %arg12[%swap3A_324, %swap3A_325] {strides = array<i32>} : memref<48x128xf32, #tpu.memory_space<vmem>>, vector<1x16xf32>,
      %swap3A_327 = vector.shape_cast %swap3A_326 : vector<1x16xf32> to vector<16xf32>
      %swap3A_328 = vector.shape_cast %broadcast_in_dim3A_61 : vector<16xf32> to vector<1x16xf32>
      tpu.vector_store %arg12[%swap3A_324, %swap3A_325], %swap3A_328 {strides = array<i32>} : memref<48x128xf32, #tpu.memory_space<vmem>>, vector<1x16xf32>,
      %swap3A_329 = arith.index_cast %scan3A_309 : i32 to index
      %swap3A_330 = arith.constant 64 : index
      %swap3A_331 = tpu.vector_load %arg12[%swap3A_329, %swap3A_330] {strides = array<i32>} : memref<48x128xf32, #tpu.memory_space<vmem>>, vector<1x16xf32>,
      %swap3A_332 = vector.shape_cast %swap3A_331 : vector<1x16xf32> to vector<16xf32>
      %swap3A_333 = vector.shape_cast %broadcast_in_dim3A_61 : vector<16xf32> to vector<1x16xf32>
      tpu.vector_store %arg12[%swap3A_329, %swap3A_330], %swap3A_333 {strides = array<i32>} : memref<48x128xf32, #tpu.memory_space<vmem>>, vector<1x16xf32>,
      %swap3A_334 = arith.index_cast %scan3A_309 : i32 to index
      %swap3A_335 = arith.constant 80 : index
      %swap3A_336 = tpu.vector_load %arg12[%swap3A_334, %swap3A_335] {strides = array<i32>} : memref<48x128xf32, #tpu.memory_space<vmem>>, vector<1x16xf32>,
      %swap3A_337 = vector.shape_cast %swap3A_336 : vector<1x16xf32> to vector<16xf32>
      %swap3A_338 = vector.shape_cast %broadcast_in_dim3A_61 : vector<16xf32> to vector<1x16xf32>
      tpu.vector_store %arg12[%swap3A_334, %swap3A_335], %swap3A_338 {strides = array<i32>} : memref<48x128xf32, #tpu.memory_space<vmem>>, vector<1x16xf32>,
      %swap3A_339 = arith.index_cast %scan3A_309 : i32 to index
      %swap3A_340 = arith.constant 96 : index
      %swap3A_341 = tpu.vector_load %arg12[%swap3A_339, %swap3A_340] {strides = array<i32>} : memref<48x128xf32, #tpu.memory_space<vmem>>, vector<1x16xf32>,
      %swap3A_342 = vector.shape_cast %swap3A_341 : vector<1x16xf32> to vector<16xf32>
      %swap3A_343 = vector.shape_cast %broadcast_in_dim3A_61 : vector<16xf32> to vector<1x16xf32>
      tpu.vector_store %arg12[%swap3A_339, %swap3A_340], %swap3A_343 {strides = array<i32>} : memref<48x128xf32, #tpu.memory_space<vmem>>, vector<1x16xf32>,
      %swap3A_344 = arith.index_cast %scan3A_309 : i32 to index
      %swap3A_345 = arith.constant 112 : index
      %swap3A_346 = tpu.vector_load %arg12[%swap3A_344, %swap3A_345] {strides = array<i32>} : memref<48x128xf32, #tpu.memory_space<vmem>>, vector<1x16xf32>,
      %swap3A_347 = vector.shape_cast %swap3A_346 : vector<1x16xf32> to vector<16xf32>
      %swap3A_348 = vector.shape_cast %broadcast_in_dim3A_61 : vector<16xf32> to vector<1x16xf32>
      tpu.vector_store %arg12[%swap3A_344, %swap3A_345], %swap3A_348 {strides = array<i32>} : memref<48x128xf32, #tpu.memory_space<vmem>>, vector<1x16xf32>,
    }
    %scan3A_66 = arith.constant 48 : i32
    %mul3A_67 = arith.constant 624 : i32
    %mul3A_68 = arith.muli %arg1, %mul3A_67 : i32
    %add3A_69 = arith.constant 0 : i32
    %add3A_70 = arith.addi %mul3A_68, %add3A_69 : i32
    %dma_start3A_71 = arith.constant 0 : i32
    %dma_start3A_72 = tpu.memref_slice %arg7[%add3A_70, %dma_start3A_71] : memref<10000x128xf32, #tpu.memory_space<vmem_shared>> -> memref<48x128xf32, #tpu.memory_space<vmem_shared>>
    %dma_start3A_73 = arith.constant 0 : i32
    %dma_start3A_74 = tpu.memref_slice %arg7[%add3A_70, %dma_start3A_73] : memref<10000x128xf32, #tpu.memory_space<vmem_shared>> -> memref<48x128xf32, #tpu.memory_space<vmem_shared>>
    tpu.enqueue_dma source(%arg12 : memref<48x128xf32, #tpu.memory_space<vmem>>) target(%dma_start3A_74 : memref<48x128xf32, #tpu.memory_space<vmem_shared>>) target_semaphore(%arg16 : memref<!tpu.dma_semaphore, #tpu.memory_space<semaphore_mem>>)
    %mul3A_75 = arith.constant 624 : i32
    %mul3A_76 = arith.muli %arg1, %mul3A_75 : i32
    %add3A_77 = arith.constant 48 : i32
    %add3A_78 = arith.addi %mul3A_76, %add3A_77 : i32
    %dma_start3A_79 = arith.constant 0 : i32
    %dma_start3A_80 = tpu.memref_slice %arg7[%add3A_78, %dma_start3A_79] : memref<10000x128xf32, #tpu.memory_space<vmem_shared>> -> memref<48x128xf32, #tpu.memory_space<vmem_shared>>
    %dma_start3A_81 = arith.constant 0 : i32
    %dma_start3A_82 = tpu.memref_slice %arg7[%add3A_78, %dma_start3A_81] : memref<10000x128xf32, #tpu.memory_space<vmem_shared>> -> memref<48x128xf32, #tpu.memory_space<vmem_shared>>
    tpu.enqueue_dma source(%arg12 : memref<48x128xf32, #tpu.memory_space<vmem>>) target(%dma_start3A_82 : memref<48x128xf32, #tpu.memory_space<vmem_shared>>) target_semaphore(%arg16 : memref<!tpu.dma_semaphore, #tpu.memory_space<semaphore_mem>>)
    %mul3A_83 = arith.constant 624 : i32
    %mul3A_84 = arith.muli %arg1, %mul3A_83 : i32
    %add3A_85 = arith.constant 96 : i32
    %add3A_86 = arith.addi %mul3A_84, %add3A_85 : i32
    %dma_start3A_87 = arith.constant 0 : i32
    %dma_start3A_88 = tpu.memref_slice %arg7[%add3A_86, %dma_start3A_87] : memref<10000x128xf32, #tpu.memory_space<vmem_shared>> -> memref<48x128xf32, #tpu.memory_space<vmem_shared>>
    %dma_start3A_89 = arith.constant 0 : i32
    %dma_start3A_90 = tpu.memref_slice %arg7[%add3A_86, %dma_start3A_89] : memref<10000x128xf32, #tpu.memory_space<vmem_shared>> -> memref<48x128xf32, #tpu.memory_space<vmem_shared>>
    tpu.enqueue_dma source(%arg12 : memref<48x128xf32, #tpu.memory_space<vmem>>) target(%dma_start3A_90 : memref<48x128xf32, #tpu.memory_space<vmem_shared>>) target_semaphore(%arg16 : memref<!tpu.dma_semaphore, #tpu.memory_space<semaphore_mem>>)
    %mul3A_91 = arith.constant 624 : i32
    %mul3A_92 = arith.muli %arg1, %mul3A_91 : i32
    %add3A_93 = arith.constant 144 : i32
    %add3A_94 = arith.addi %mul3A_92, %add3A_93 : i32
    %dma_start3A_95 = arith.constant 0 : i32
    %dma_start3A_96 = tpu.memref_slice %arg7[%add3A_94, %dma_start3A_95] : memref<10000x128xf32, #tpu.memory_space<vmem_shared>> -> memref<48x128xf32, #tpu.memory_space<vmem_shared>>
    %dma_start3A_97 = arith.constant 0 : i32
    %dma_start3A_98 = tpu.memref_slice %arg7[%add3A_94, %dma_start3A_97] : memref<10000x128xf32, #tpu.memory_space<vmem_shared>> -> memref<48x128xf32, #tpu.memory_space<vmem_shared>>
    tpu.enqueue_dma source(%arg12 : memref<48x128xf32, #tpu.memory_space<vmem>>) target(%dma_start3A_98 : memref<48x128xf32, #tpu.memory_space<vmem_shared>>) target_semaphore(%arg16 : memref<!tpu.dma_semaphore, #tpu.memory_space<semaphore_mem>>)
    %mul3A_99 = arith.constant 624 : i32
    %mul3A_100 = arith.muli %arg1, %mul3A_99 : i32
    %add3A_101 = arith.constant 192 : i32
    %add3A_102 = arith.addi %mul3A_100, %add3A_101 : i32
    %dma_start3A_103 = arith.constant 0 : i32
    %dma_start3A_104 = tpu.memref_slice %arg7[%add3A_102, %dma_start3A_103] : memref<10000x128xf32, #tpu.memory_space<vmem_shared>> -> memref<48x128xf32, #tpu.memory_space<vmem_shared>>
    %dma_start3A_105 = arith.constant 0 : i32
    %dma_start3A_106 = tpu.memref_slice %arg7[%add3A_102, %dma_start3A_105] : memref<10000x128xf32, #tpu.memory_space<vmem_shared>> -> memref<48x128xf32, #tpu.memory_space<vmem_shared>>
    tpu.enqueue_dma source(%arg12 : memref<48x128xf32, #tpu.memory_space<vmem>>) target(%dma_start3A_106 : memref<48x128xf32, #tpu.memory_space<vmem_shared>>) target_semaphore(%arg16 : memref<!tpu.dma_semaphore, #tpu.memory_space<semaphore_mem>>)
    %mul3A_107 = arith.constant 624 : i32
    %mul3A_108 = arith.muli %arg1, %mul3A_107 : i32
    %add3A_109 = arith.constant 240 : i32
    %add3A_110 = arith.addi %mul3A_108, %add3A_109 : i32
    %dma_start3A_111 = arith.constant 0 : i32
    %dma_start3A_112 = tpu.memref_slice %arg7[%add3A_110, %dma_start3A_111] : memref<10000x128xf32, #tpu.memory_space<vmem_shared>> -> memref<48x128xf32, #tpu.memory_space<vmem_shared>>
    %dma_start3A_113 = arith.constant 0 : i32
    %dma_start3A_114 = tpu.memref_slice %arg7[%add3A_110, %dma_start3A_113] : memref<10000x128xf32, #tpu.memory_space<vmem_shared>> -> memref<48x128xf32, #tpu.memory_space<vmem_shared>>
    tpu.enqueue_dma source(%arg12 : memref<48x128xf32, #tpu.memory_space<vmem>>) target(%dma_start3A_114 : memref<48x128xf32, #tpu.memory_space<vmem_shared>>) target_semaphore(%arg16 : memref<!tpu.dma_semaphore, #tpu.memory_space<semaphore_mem>>)
    %mul3A_115 = arith.constant 624 : i32
    %mul3A_116 = arith.muli %arg1, %mul3A_115 : i32
    %add3A_117 = arith.constant 288 : i32
    %add3A_118 = arith.addi %mul3A_116, %add3A_117 : i32
    %dma_start3A_119 = arith.constant 0 : i32
    %dma_start3A_120 = tpu.memref_slice %arg7[%add3A_118, %dma_start3A_119] : memref<10000x128xf32, #tpu.memory_space<vmem_shared>> -> memref<48x128xf32, #tpu.memory_space<vmem_shared>>
    %dma_start3A_121 = arith.constant 0 : i32
    %dma_start3A_122 = tpu.memref_slice %arg7[%add3A_118, %dma_start3A_121] : memref<10000x128xf32, #tpu.memory_space<vmem_shared>> -> memref<48x128xf32, #tpu.memory_space<vmem_shared>>
    tpu.enqueue_dma source(%arg12 : memref<48x128xf32, #tpu.memory_space<vmem>>) target(%dma_start3A_122 : memref<48x128xf32, #tpu.memory_space<vmem_shared>>) target_semaphore(%arg16 : memref<!tpu.dma_semaphore, #tpu.memory_space<semaphore_mem>>)
    %mul3A_123 = arith.constant 624 : i32
    %mul3A_124 = arith.muli %arg1, %mul3A_123 : i32
    %add3A_125 = arith.constant 336 : i32
    %add3A_126 = arith.addi %mul3A_124, %add3A_125 : i32
    %dma_start3A_127 = arith.constant 0 : i32
    %dma_start3A_128 = tpu.memref_slice %arg7[%add3A_126, %dma_start3A_127] : memref<10000x128xf32, #tpu.memory_space<vmem_shared>> -> memref<48x128xf32, #tpu.memory_space<vmem_shared>>
    %dma_start3A_129 = arith.constant 0 : i32
    %dma_start3A_130 = tpu.memref_slice %arg7[%add3A_126, %dma_start3A_129] : memref<10000x128xf32, #tpu.memory_space<vmem_shared>> -> memref<48x128xf32, #tpu.memory_space<vmem_shared>>
    tpu.enqueue_dma source(%arg12 : memref<48x128xf32, #tpu.memory_space<vmem>>) target(%dma_start3A_130 : memref<48x128xf32, #tpu.memory_space<vmem_shared>>) target_semaphore(%arg16 : memref<!tpu.dma_semaphore, #tpu.memory_space<semaphore_mem>>)
    %mul3A_131 = arith.constant 624 : i32
    %mul3A_132 = arith.muli %arg1, %mul3A_131 : i32
    %add3A_133 = arith.constant 384 : i32
    %add3A_134 = arith.addi %mul3A_132, %add3A_133 : i32
    %dma_start3A_135 = arith.constant 0 : i32
    %dma_start3A_136 = tpu.memref_slice %arg7[%add3A_134, %dma_start3A_135] : memref<10000x128xf32, #tpu.memory_space<vmem_shared>> -> memref<48x128xf32, #tpu.memory_space<vmem_shared>>
    %dma_start3A_137 = arith.constant 0 : i32
    %dma_start3A_138 = tpu.memref_slice %arg7[%add3A_134, %dma_start3A_137] : memref<10000x128xf32, #tpu.memory_space<vmem_shared>> -> memref<48x128xf32, #tpu.memory_space<vmem_shared>>
    tpu.enqueue_dma source(%arg12 : memref<48x128xf32, #tpu.memory_space<vmem>>) target(%dma_start3A_138 : memref<48x128xf32, #tpu.memory_space<vmem_shared>>) target_semaphore(%arg16 : memref<!tpu.dma_semaphore, #tpu.memory_space<semaphore_mem>>)
    %mul3A_139 = arith.constant 624 : i32
    %mul3A_140 = arith.muli %arg1, %mul3A_139 : i32
    %add3A_141 = arith.constant 432 : i32
    %add3A_142 = arith.addi %mul3A_140, %add3A_141 : i32
    %dma_start3A_143 = arith.constant 0 : i32
    %dma_start3A_144 = tpu.memref_slice %arg7[%add3A_142, %dma_start3A_143] : memref<10000x128xf32, #tpu.memory_space<vmem_shared>> -> memref<48x128xf32, #tpu.memory_space<vmem_shared>>
    %dma_start3A_145 = arith.constant 0 : i32
    %dma_start3A_146 = tpu.memref_slice %arg7[%add3A_142, %dma_start3A_145] : memref<10000x128xf32, #tpu.memory_space<vmem_shared>> -> memref<48x128xf32, #tpu.memory_space<vmem_shared>>
    tpu.enqueue_dma source(%arg12 : memref<48x128xf32, #tpu.memory_space<vmem>>) target(%dma_start3A_146 : memref<48x128xf32, #tpu.memory_space<vmem_shared>>) target_semaphore(%arg16 : memref<!tpu.dma_semaphore, #tpu.memory_space<semaphore_mem>>)
    %mul3A_147 = arith.constant 624 : i32
    %mul3A_148 = arith.muli %arg1, %mul3A_147 : i32
    %add3A_149 = arith.constant 480 : i32
    %add3A_150 = arith.addi %mul3A_148, %add3A_149 : i32
    %dma_start3A_151 = arith.constant 0 : i32
    %dma_start3A_152 = tpu.memref_slice %arg7[%add3A_150, %dma_start3A_151] : memref<10000x128xf32, #tpu.memory_space<vmem_shared>> -> memref<48x128xf32, #tpu.memory_space<vmem_shared>>
    %dma_start3A_153 = arith.constant 0 : i32
    %dma_start3A_154 = tpu.memref_slice %arg7[%add3A_150, %dma_start3A_153] : memref<10000x128xf32, #tpu.memory_space<vmem_shared>> -> memref<48x128xf32, #tpu.memory_space<vmem_shared>>
    tpu.enqueue_dma source(%arg12 : memref<48x128xf32, #tpu.memory_space<vmem>>) target(%dma_start3A_154 : memref<48x128xf32, #tpu.memory_space<vmem_shared>>) target_semaphore(%arg16 : memref<!tpu.dma_semaphore, #tpu.memory_space<semaphore_mem>>)
    %mul3A_155 = arith.constant 624 : i32
    %mul3A_156 = arith.muli %arg1, %mul3A_155 : i32
    %add3A_157 = arith.constant 528 : i32
    %add3A_158 = arith.addi %mul3A_156, %add3A_157 : i32
    %dma_start3A_159 = arith.constant 0 : i32
    %dma_start3A_160 = tpu.memref_slice %arg7[%add3A_158, %dma_start3A_159] : memref<10000x128xf32, #tpu.memory_space<vmem_shared>> -> memref<48x128xf32, #tpu.memory_space<vmem_shared>>
    %dma_start3A_161 = arith.constant 0 : i32
    %dma_start3A_162 = tpu.memref_slice %arg7[%add3A_158, %dma_start3A_161] : memref<10000x128xf32, #tpu.memory_space<vmem_shared>> -> memref<48x128xf32, #tpu.memory_space<vmem_shared>>
    tpu.enqueue_dma source(%arg12 : memref<48x128xf32, #tpu.memory_space<vmem>>) target(%dma_start3A_162 : memref<48x128xf32, #tpu.memory_space<vmem_shared>>) target_semaphore(%arg16 : memref<!tpu.dma_semaphore, #tpu.memory_space<semaphore_mem>>)
    %mul3A_163 = arith.constant 624 : i32
    %mul3A_164 = arith.muli %arg1, %mul3A_163 : i32
    %add3A_165 = arith.constant 576 : i32
    %add3A_166 = arith.addi %mul3A_164, %add3A_165 : i32
    %dma_start3A_167 = arith.constant 0 : i32
    %dma_start3A_168 = tpu.memref_slice %arg7[%add3A_166, %dma_start3A_167] : memref<10000x128xf32, #tpu.memory_space<vmem_shared>> -> memref<48x128xf32, #tpu.memory_space<vmem_shared>>
    %dma_start3A_169 = arith.constant 0 : i32
    %dma_start3A_170 = tpu.memref_slice %arg7[%add3A_166, %dma_start3A_169] : memref<10000x128xf32, #tpu.memory_space<vmem_shared>> -> memref<48x128xf32, #tpu.memory_space<vmem_shared>>
    tpu.enqueue_dma source(%arg12 : memref<48x128xf32, #tpu.memory_space<vmem>>) target(%dma_start3A_170 : memref<48x128xf32, #tpu.memory_space<vmem_shared>>) target_semaphore(%arg16 : memref<!tpu.dma_semaphore, #tpu.memory_space<semaphore_mem>>)
    %dma_wait3A = arith.constant 0 : i32
    %dma_wait3A_171 = arith.constant 0 : i32
    %dma_wait3A_172 = tpu.memref_slice %arg7[%dma_wait3A, %dma_wait3A_171] : memref<10000x128xf32, #tpu.memory_space<vmem_shared>> -> memref<48x128xf32, #tpu.memory_space<vmem_shared>>
    %dma_wait3A_173 = arith.constant 0 : i32
    %dma_wait3A_174 = arith.constant 0 : i32
    %dma_wait3A_175 = tpu.memref_slice %arg7[%dma_wait3A_173, %dma_wait3A_174] : memref<10000x128xf32, #tpu.memory_space<vmem_shared>> -> memref<48x128xf32, #tpu.memory_space<vmem_shared>>
    tpu.wait_dma2 semaphore(%arg16 : memref<!tpu.dma_semaphore, #tpu.memory_space<semaphore_mem>>) src(%arg12 : memref<48x128xf32, #tpu.memory_space<vmem>>) dst(%dma_wait3A_175 : memref<48x128xf32, #tpu.memory_space<vmem_shared>>)
    %dma_wait3A_176 = arith.constant 0 : i32
    %dma_wait3A_177 = arith.constant 0 : i32
    %dma_wait3A_178 = tpu.memref_slice %arg7[%dma_wait3A_176, %dma_wait3A_177] : memref<10000x128xf32, #tpu.memory_space<vmem_shared>> -> memref<48x128xf32, #tpu.memory_space<vmem_shared>>
    %dma_wait3A_179 = arith.constant 0 : i32
    %dma_wait3A_180 = arith.constant 0 : i32
    %dma_wait3A_181 = tpu.memref_slice %arg7[%dma_wait3A_179, %dma_wait3A_180] : memref<10000x128xf32, #tpu.memory_space<vmem_shared>> -> memref<48x128xf32, #tpu.memory_space<vmem_shared>>
    tpu.wait_dma2 semaphore(%arg16 : memref<!tpu.dma_semaphore, #tpu.memory_space<semaphore_mem>>) src(%arg12 : memref<48x128xf32, #tpu.memory_space<vmem>>) dst(%dma_wait3A_181 : memref<48x128xf32, #tpu.memory_space<vmem_shared>>)
    %dma_wait3A_182 = arith.constant 0 : i32
    %dma_wait3A_183 = arith.constant 0 : i32
    %dma_wait3A_184 = tpu.memref_slice %arg7[%dma_wait3A_182, %dma_wait3A_183] : memref<10000x128xf32, #tpu.memory_space<vmem_shared>> -> memref<48x128xf32, #tpu.memory_space<vmem_shared>>
    %dma_wait3A_185 = arith.constant 0 : i32
    %dma_wait3A_186 = arith.constant 0 : i32
    %dma_wait3A_187 = tpu.memref_slice %arg7[%dma_wait3A_185, %dma_wait3A_186] : memref<10000x128xf32, #tpu.memory_space<vmem_shared>> -> memref<48x128xf32, #tpu.memory_space<vmem_shared>>
    tpu.wait_dma2 semaphore(%arg16 : memref<!tpu.dma_semaphore, #tpu.memory_space<semaphore_mem>>) src(%arg12 : memref<48x128xf32, #tpu.memory_space<vmem>>) dst(%dma_wait3A_187 : memref<48x128xf32, #tpu.memory_space<vmem_shared>>)
    %dma_wait3A_188 = arith.constant 0 : i32
    %dma_wait3A_189 = arith.constant 0 : i32
    %dma_wait3A_190 = tpu.memref_slice %arg7[%dma_wait3A_188, %dma_wait3A_189] : memref<10000x128xf32, #tpu.memory_space<vmem_shared>> -> memref<48x128xf32, #tpu.memory_space<vmem_shared>>
    %dma_wait3A_191 = arith.constant 0 : i32
    %dma_wait3A_192 = arith.constant 0 : i32
    %dma_wait3A_193 = tpu.memref_slice %arg7[%dma_wait3A_191, %dma_wait3A_192] : memref<10000x128xf32, #tpu.memory_space<vmem_shared>> -> memref<48x128xf32, #tpu.memory_space<vmem_shared>>
    tpu.wait_dma2 semaphore(%arg16 : memref<!tpu.dma_semaphore, #tpu.memory_space<semaphore_mem>>) src(%arg12 : memref<48x128xf32, #tpu.memory_space<vmem>>) dst(%dma_wait3A_193 : memref<48x128xf32, #tpu.memory_space<vmem_shared>>)
    %dma_wait3A_194 = arith.constant 0 : i32
    %dma_wait3A_195 = arith.constant 0 : i32
    %dma_wait3A_196 = tpu.memref_slice %arg7[%dma_wait3A_194, %dma_wait3A_195] : memref<10000x128xf32, #tpu.memory_space<vmem_shared>> -> memref<48x128xf32, #tpu.memory_space<vmem_shared>>
    %dma_wait3A_197 = arith.constant 0 : i32
    %dma_wait3A_198 = arith.constant 0 : i32
    %dma_wait3A_199 = tpu.memref_slice %arg7[%dma_wait3A_197, %dma_wait3A_198] : memref<10000x128xf32, #tpu.memory_space<vmem_shared>> -> memref<48x128xf32, #tpu.memory_space<vmem_shared>>
    tpu.wait_dma2 semaphore(%arg16 : memref<!tpu.dma_semaphore, #tpu.memory_space<semaphore_mem>>) src(%arg12 : memref<48x128xf32, #tpu.memory_space<vmem>>) dst(%dma_wait3A_199 : memref<48x128xf32, #tpu.memory_space<vmem_shared>>)
    %dma_wait3A_200 = arith.constant 0 : i32
    %dma_wait3A_201 = arith.constant 0 : i32
    %dma_wait3A_202 = tpu.memref_slice %arg7[%dma_wait3A_200, %dma_wait3A_201] : memref<10000x128xf32, #tpu.memory_space<vmem_shared>> -> memref<48x128xf32, #tpu.memory_space<vmem_shared>>
    %dma_wait3A_203 = arith.constant 0 : i32
    %dma_wait3A_204 = arith.constant 0 : i32
    %dma_wait3A_205 = tpu.memref_slice %arg7[%dma_wait3A_203, %dma_wait3A_204] : memref<10000x128xf32, #tpu.memory_space<vmem_shared>> -> memref<48x128xf32, #tpu.memory_space<vmem_shared>>
    tpu.wait_dma2 semaphore(%arg16 : memref<!tpu.dma_semaphore, #tpu.memory_space<semaphore_mem>>) src(%arg12 : memref<48x128xf32, #tpu.memory_space<vmem>>) dst(%dma_wait3A_205 : memref<48x128xf32, #tpu.memory_space<vmem_shared>>)
    %dma_wait3A_206 = arith.constant 0 : i32
    %dma_wait3A_207 = arith.constant 0 : i32
    %dma_wait3A_208 = tpu.memref_slice %arg7[%dma_wait3A_206, %dma_wait3A_207] : memref<10000x128xf32, #tpu.memory_space<vmem_shared>> -> memref<48x128xf32, #tpu.memory_space<vmem_shared>>
    %dma_wait3A_209 = arith.constant 0 : i32
    %dma_wait3A_210 = arith.constant 0 : i32
    %dma_wait3A_211 = tpu.memref_slice %arg7[%dma_wait3A_209, %dma_wait3A_210] : memref<10000x128xf32, #tpu.memory_space<vmem_shared>> -> memref<48x128xf32, #tpu.memory_space<vmem_shared>>
    tpu.wait_dma2 semaphore(%arg16 : memref<!tpu.dma_semaphore, #tpu.memory_space<semaphore_mem>>) src(%arg12 : memref<48x128xf32, #tpu.memory_space<vmem>>) dst(%dma_wait3A_211 : memref<48x128xf32, #tpu.memory_space<vmem_shared>>)
    %dma_wait3A_212 = arith.constant 0 : i32
    %dma_wait3A_213 = arith.constant 0 : i32
    %dma_wait3A_214 = tpu.memref_slice %arg7[%dma_wait3A_212, %dma_wait3A_213] : memref<10000x128xf32, #tpu.memory_space<vmem_shared>> -> memref<48x128xf32, #tpu.memory_space<vmem_shared>>
    %dma_wait3A_215 = arith.constant 0 : i32
    %dma_wait3A_216 = arith.constant 0 : i32
    %dma_wait3A_217 = tpu.memref_slice %arg7[%dma_wait3A_215, %dma_wait3A_216] : memref<10000x128xf32, #tpu.memory_space<vmem_shared>> -> memref<48x128xf32, #tpu.memory_space<vmem_shared>>
    tpu.wait_dma2 semaphore(%arg16 : memref<!tpu.dma_semaphore, #tpu.memory_space<semaphore_mem>>) src(%arg12 : memref<48x128xf32, #tpu.memory_space<vmem>>) dst(%dma_wait3A_217 : memref<48x128xf32, #tpu.memory_space<vmem_shared>>)
    %dma_wait3A_218 = arith.constant 0 : i32
    %dma_wait3A_219 = arith.constant 0 : i32
    %dma_wait3A_220 = tpu.memref_slice %arg7[%dma_wait3A_218, %dma_wait3A_219] : memref<10000x128xf32, #tpu.memory_space<vmem_shared>> -> memref<48x128xf32, #tpu.memory_space<vmem_shared>>
    %dma_wait3A_221 = arith.constant 0 : i32
    %dma_wait3A_222 = arith.constant 0 : i32
    %dma_wait3A_223 = tpu.memref_slice %arg7[%dma_wait3A_221, %dma_wait3A_222] : memref<10000x128xf32, #tpu.memory_space<vmem_shared>> -> memref<48x128xf32, #tpu.memory_space<vmem_shared>>
    tpu.wait_dma2 semaphore(%arg16 : memref<!tpu.dma_semaphore, #tpu.memory_space<semaphore_mem>>) src(%arg12 : memref<48x128xf32, #tpu.memory_space<vmem>>) dst(%dma_wait3A_223 : memref<48x128xf32, #tpu.memory_space<vmem_shared>>)
    %dma_wait3A_224 = arith.constant 0 : i32
    %dma_wait3A_225 = arith.constant 0 : i32
    %dma_wait3A_226 = tpu.memref_slice %arg7[%dma_wait3A_224, %dma_wait3A_225] : memref<10000x128xf32, #tpu.memory_space<vmem_shared>> -> memref<48x128xf32, #tpu.memory_space<vmem_shared>>
    %dma_wait3A_227 = arith.constant 0 : i32
    %dma_wait3A_228 = arith.constant 0 : i32
    %dma_wait3A_229 = tpu.memref_slice %arg7[%dma_wait3A_227, %dma_wait3A_228] : memref<10000x128xf32, #tpu.memory_space<vmem_shared>> -> memref<48x128xf32, #tpu.memory_space<vmem_shared>>
    tpu.wait_dma2 semaphore(%arg16 : memref<!tpu.dma_semaphore, #tpu.memory_space<semaphore_mem>>) src(%arg12 : memref<48x128xf32, #tpu.memory_space<vmem>>) dst(%dma_wait3A_229 : memref<48x128xf32, #tpu.memory_space<vmem_shared>>)
    %dma_wait3A_230 = arith.constant 0 : i32
    %dma_wait3A_231 = arith.constant 0 : i32
    %dma_wait3A_232 = tpu.memref_slice %arg7[%dma_wait3A_230, %dma_wait3A_231] : memref<10000x128xf32, #tpu.memory_space<vmem_shared>> -> memref<48x128xf32, #tpu.memory_space<vmem_shared>>
    %dma_wait3A_233 = arith.constant 0 : i32
    %dma_wait3A_234 = arith.constant 0 : i32
    %dma_wait3A_235 = tpu.memref_slice %arg7[%dma_wait3A_233, %dma_wait3A_234] : memref<10000x128xf32, #tpu.memory_space<vmem_shared>> -> memref<48x128xf32, #tpu.memory_space<vmem_shared>>
    tpu.wait_dma2 semaphore(%arg16 : memref<!tpu.dma_semaphore, #tpu.memory_space<semaphore_mem>>) src(%arg12 : memref<48x128xf32, #tpu.memory_space<vmem>>) dst(%dma_wait3A_235 : memref<48x128xf32, #tpu.memory_space<vmem_shared>>)
    %dma_wait3A_236 = arith.constant 0 : i32
    %dma_wait3A_237 = arith.constant 0 : i32
    %dma_wait3A_238 = tpu.memref_slice %arg7[%dma_wait3A_236, %dma_wait3A_237] : memref<10000x128xf32, #tpu.memory_space<vmem_shared>> -> memref<48x128xf32, #tpu.memory_space<vmem_shared>>
    %dma_wait3A_239 = arith.constant 0 : i32
    %dma_wait3A_240 = arith.constant 0 : i32
    %dma_wait3A_241 = tpu.memref_slice %arg7[%dma_wait3A_239, %dma_wait3A_240] : memref<10000x128xf32, #tpu.memory_space<vmem_shared>> -> memref<48x128xf32, #tpu.memory_space<vmem_shared>>
    tpu.wait_dma2 semaphore(%arg16 : memref<!tpu.dma_semaphore, #tpu.memory_space<semaphore_mem>>) src(%arg12 : memref<48x128xf32, #tpu.memory_space<vmem>>) dst(%dma_wait3A_241 : memref<48x128xf32, #tpu.memory_space<vmem_shared>>)
    %dma_wait3A_242 = arith.constant 0 : i32
    %dma_wait3A_243 = arith.constant 0 : i32
    %dma_wait3A_244 = tpu.memref_slice %arg7[%dma_wait3A_242, %dma_wait3A_243] : memref<10000x128xf32, #tpu.memory_space<vmem_shared>> -> memref<48x128xf32, #tpu.memory_space<vmem_shared>>
    %dma_wait3A_245 = arith.constant 0 : i32
    %dma_wait3A_246 = arith.constant 0 : i32
    %dma_wait3A_247 = tpu.memref_slice %arg7[%dma_wait3A_245, %dma_wait3A_246] : memref<10000x128xf32, #tpu.memory_space<vmem_shared>> -> memref<48x128xf32, #tpu.memory_space<vmem_shared>>
    tpu.wait_dma2 semaphore(%arg16 : memref<!tpu.dma_semaphore, #tpu.memory_space<semaphore_mem>>) src(%arg12 : memref<48x128xf32, #tpu.memory_space<vmem>>) dst(%dma_wait3A_247 : memref<48x128xf32, #tpu.memory_space<vmem_shared>>)
    %eq3A = arith.constant 0 : i32
    %eq3A_248 = arith.cmpi eq, %arg1, %eq3A : i32
    %convert_element_type3A = arith.extui %eq3A_248 : i1 to i32
    %cond3A = arith.constant 0 : i32
    %cond3A_249 = arith.cmpi ne, %convert_element_type3A, %cond3A : i32
    scf.if %cond3A_249 {
      "tpu.region"() ({
        %run_scoped3A_309 = tpu.sem_alloc : memref<!tpu.dma_semaphore, #tpu.memory_space<semaphore_mem>>
        %dma_start3A_310 = arith.constant 0 : i32
        %dma_start3A_311 = arith.constant 0 : i32
        %dma_start3A_312 = tpu.memref_slice %arg12[%dma_start3A_310, %dma_start3A_311] : memref<48x128xf32, #tpu.memory_space<vmem>> -> memref<16x128xf32, #tpu.memory_space<vmem>>
        %dma_start3A_313 = arith.constant 9984 : i32
        %dma_start3A_314 = arith.constant 0 : i32
        %dma_start3A_315 = tpu.memref_slice %arg7[%dma_start3A_313, %dma_start3A_314] : memref<10000x128xf32, #tpu.memory_space<vmem_shared>> -> memref<16x128xf32, #tpu.memory_space<vmem_shared>>
        %dma_start3A_316 = arith.constant 9984 : i32
        %dma_start3A_317 = arith.constant 0 : i32
        %dma_start3A_318 = tpu.memref_slice %arg7[%dma_start3A_316, %dma_start3A_317] : memref<10000x128xf32, #tpu.memory_space<vmem_shared>> -> memref<16x128xf32, #tpu.memory_space<vmem_shared>>
        %dma_start3A_319 = arith.constant 0 : i32
        %dma_start3A_320 = arith.constant 0 : i32
        %dma_start3A_321 = tpu.memref_slice %arg12[%dma_start3A_319, %dma_start3A_320] : memref<48x128xf32, #tpu.memory_space<vmem>> -> memref<16x128xf32, #tpu.memory_space<vmem>>
        tpu.enqueue_dma source(%dma_start3A_321 : memref<16x128xf32, #tpu.memory_space<vmem>>) target(%dma_start3A_318 : memref<16x128xf32, #tpu.memory_space<vmem_shared>>) target_semaphore(%run_scoped3A_309 : memref<!tpu.dma_semaphore, #tpu.memory_space<semaphore_mem>>)
        %dma_wait3A_322 = arith.constant 0 : i32
        %dma_wait3A_323 = arith.constant 0 : i32
        %dma_wait3A_324 = tpu.memref_slice %arg12[%dma_wait3A_322, %dma_wait3A_323] : memref<48x128xf32, #tpu.memory_space<vmem>> -> memref<16x128xf32, #tpu.memory_space<vmem>>
        %dma_wait3A_325 = arith.constant 9984 : i32
        %dma_wait3A_326 = arith.constant 0 : i32
        %dma_wait3A_327 = tpu.memref_slice %arg7[%dma_wait3A_325, %dma_wait3A_326] : memref<10000x128xf32, #tpu.memory_space<vmem_shared>> -> memref<16x128xf32, #tpu.memory_space<vmem_shared>>
        %dma_wait3A_328 = arith.constant 9984 : i32
        %dma_wait3A_329 = arith.constant 0 : i32
        %dma_wait3A_330 = tpu.memref_slice %arg7[%dma_wait3A_328, %dma_wait3A_329] : memref<10000x128xf32, #tpu.memory_space<vmem_shared>> -> memref<16x128xf32, #tpu.memory_space<vmem_shared>>
        %dma_wait3A_331 = arith.constant 0 : i32
        %dma_wait3A_332 = arith.constant 0 : i32
        %dma_wait3A_333 = tpu.memref_slice %arg12[%dma_wait3A_331, %dma_wait3A_332] : memref<48x128xf32, #tpu.memory_space<vmem>> -> memref<16x128xf32, #tpu.memory_space<vmem>>
        tpu.wait_dma2 semaphore(%run_scoped3A_309 : memref<!tpu.dma_semaphore, #tpu.memory_space<semaphore_mem>>) src(%dma_wait3A_333 : memref<16x128xf32, #tpu.memory_space<vmem>>) dst(%dma_wait3A_330 : memref<16x128xf32, #tpu.memory_space<vmem_shared>>)
        tpu.yield
      }) : () -> ()
    } else {
    }
    %barrier3A = arith.constant 0 : index
    tpu.barrier barrier_id(%barrier3A)
    %scan3A_250 = arith.constant 0 : i32
    %scan3A_251 = arith.constant 0 : i32
    %scan3A_252 = arith.constant 62 : i32
    %scan3A_253 = arith.addi %scan3A_251, %scan3A_252 : i32
    %scan3A_254 = arith.constant 1 : i32
    scf.for %scan3A_309 = %scan3A_251 to %scan3A_253 step %scan3A_254  : i32 {
      %mul3A_310 = arith.constant 2 : i32
      %mul3A_311 = arith.muli %mul3A_310, %scan3A_309 : i32
      %dma_wait3A_312 = arith.constant 1 : i32
      %dma_wait3A_313 = arith.constant 1 : i32
      %dma_wait3A_314 = arith.constant 0 : i32
      %dma_wait3A_315 = tpu.memref_slice %arg8[%dma_wait3A_312, %dma_wait3A_314] : memref<2x80xi32, #tpu.memory_space<vmem>> -> memref<1x80xi32, #tpu.memory_space<vmem>>
      %dma_wait3A_316 = tpu.memref_squeeze %dma_wait3A_315 : memref<1x80xi32, #tpu.memory_space<vmem>> -> memref<80xi32, #tpu.memory_space<vmem>>
      %dma_wait3A_317 = arith.constant 0 : i32
      %dma_wait3A_318 = tpu.memref_slice %arg4[%dma_wait3A_317] : memref<160000xi32, #tpu.memory_space<hbm>> -> memref<80xi32, #tpu.memory_space<hbm>>
      %dma_wait3A_319 = tpu.memref_slice %arg15[%dma_wait3A_313] : memref<2x!tpu.dma_semaphore, #tpu.memory_space<semaphore_mem>> -> memref<1x!tpu.dma_semaphore, #tpu.memory_space<semaphore_mem>>
      %dma_wait3A_320 = tpu.memref_squeeze %dma_wait3A_319 : memref<1x!tpu.dma_semaphore, #tpu.memory_space<semaphore_mem>> -> memref<!tpu.dma_semaphore, #tpu.memory_space<semaphore_mem>>
      %dma_wait3A_321 = arith.constant 0 : i32
      %dma_wait3A_322 = tpu.memref_slice %arg8[%dma_wait3A_312, %dma_wait3A_321] : memref<2x80xi32, #tpu.memory_space<vmem>> -> memref<1x80xi32, #tpu.memory_space<vmem>>
      %dma_wait3A_323 = tpu.memref_squeeze %dma_wait3A_322 : memref<1x80xi32, #tpu.memory_space<vmem>> -> memref<80xi32, #tpu.memory_space<vmem>>
      %dma_wait3A_324 = arith.constant 0 : i32
      %dma_wait3A_325 = tpu.memref_slice %arg4[%dma_wait3A_324] : memref<160000xi32, #tpu.memory_space<hbm>> -> memref<80xi32, #tpu.memory_space<hbm>>
      tpu.wait_dma2 semaphore(%dma_wait3A_320 : memref<!tpu.dma_semaphore, #tpu.memory_space<semaphore_mem>>) src(%dma_wait3A_325 : memref<80xi32, #tpu.memory_space<hbm>>) dst(%dma_wait3A_323 : memref<80xi32, #tpu.memory_space<vmem>>)
      %dma_wait3A_326 = arith.constant 1 : i32
      %dma_wait3A_327 = arith.constant 1 : i32
      %dma_wait3A_328 = arith.constant 0 : i32
      %dma_wait3A_329 = tpu.memref_slice %arg9[%dma_wait3A_326, %dma_wait3A_328] : memref<2x80xi32, #tpu.memory_space<vmem>> -> memref<1x80xi32, #tpu.memory_space<vmem>>
      %dma_wait3A_330 = tpu.memref_squeeze %dma_wait3A_329 : memref<1x80xi32, #tpu.memory_space<vmem>> -> memref<80xi32, #tpu.memory_space<vmem>>
      %dma_wait3A_331 = arith.constant 0 : i32
      %dma_wait3A_332 = tpu.memref_slice %arg5[%dma_wait3A_331] : memref<160000xi32, #tpu.memory_space<hbm>> -> memref<80xi32, #tpu.memory_space<hbm>>
      %dma_wait3A_333 = tpu.memref_slice %arg15[%dma_wait3A_327] : memref<2x!tpu.dma_semaphore, #tpu.memory_space<semaphore_mem>> -> memref<1x!tpu.dma_semaphore, #tpu.memory_space<semaphore_mem>>
      %dma_wait3A_334 = tpu.memref_squeeze %dma_wait3A_333 : memref<1x!tpu.dma_semaphore, #tpu.memory_space<semaphore_mem>> -> memref<!tpu.dma_semaphore, #tpu.memory_space<semaphore_mem>>
      %dma_wait3A_335 = arith.constant 0 : i32
      %dma_wait3A_336 = tpu.memref_slice %arg9[%dma_wait3A_326, %dma_wait3A_335] : memref<2x80xi32, #tpu.memory_space<vmem>> -> memref<1x80xi32, #tpu.memory_space<vmem>>
      %dma_wait3A_337 = tpu.memref_squeeze %dma_wait3A_336 : memref<1x80xi32, #tpu.memory_space<vmem>> -> memref<80xi32, #tpu.memory_space<vmem>>
      %dma_wait3A_338 = arith.constant 0 : i32
      %dma_wait3A_339 = tpu.memref_slice %arg5[%dma_wait3A_338] : memref<160000xi32, #tpu.memory_space<hbm>> -> memref<80xi32, #tpu.memory_space<hbm>>
      tpu.wait_dma2 semaphore(%dma_wait3A_334 : memref<!tpu.dma_semaphore, #tpu.memory_space<semaphore_mem>>) src(%dma_wait3A_339 : memref<80xi32, #tpu.memory_space<hbm>>) dst(%dma_wait3A_337 : memref<80xi32, #tpu.memory_space<vmem>>)
      %add3A_340 = arith.constant 1 : i32
      %add3A_341 = arith.addi %mul3A_311, %add3A_340 : i32
      %mul3A_342 = arith.constant 80 : i32
      %mul3A_343 = arith.muli %add3A_341, %mul3A_342 : i32
      %add3A_344 = arith.addi %mul3A_0, %mul3A_343 : i32
      %dma_start3A_345 = arith.constant 1 : i32
      %dma_start3A_346 = arith.constant 1 : i32
      %dma_start3A_347 = arith.constant 1 : i32
      %dma_start3A_348 = arith.constant 0 : i32
      %dma_start3A_349 = arith.constant 0 : i32
      %dma_start3A_350 = tpu.memref_slice %arg10[%dma_start3A_346, %dma_start3A_348, %dma_start3A_349] : memref<2x80x128xf32, #tpu.memory_space<vmem>> -> memref<1x80x128xf32, #tpu.memory_space<vmem>>
      %dma_start3A_351 = tpu.memref_squeeze %dma_start3A_350 : memref<1x80x128xf32, #tpu.memory_space<vmem>> -> memref<80x128xf32, #tpu.memory_space<vmem>>
      %dma_start3A_352 = arith.constant 0 : i32
      %dma_start3A_353 = tpu.memref_slice %arg8[%dma_start3A_345, %dma_start3A_352] : memref<2x80xi32, #tpu.memory_space<vmem>> -> memref<1x80xi32, #tpu.memory_space<vmem>>
      %dma_start3A_354 = tpu.memref_squeeze %dma_start3A_353 : memref<1x80xi32, #tpu.memory_space<vmem>> -> memref<80xi32, #tpu.memory_space<vmem>>
      %dma_start3A_355 = arith.constant 0 : i32
      %dma_start3A_356 = arith.constant 0 : i32
      %dma_start3A_357 = tpu.memref_slice %arg2[%dma_start3A_355, %dma_start3A_356] : memref<10000x128xf32, #tpu.memory_space<hbm>> -> memref<10000x128xf32, #tpu.memory_space<hbm>>
      %dma_start3A_358 = tpu.memref_slice %arg13[%dma_start3A_347] : memref<2x!tpu.dma_semaphore, #tpu.memory_space<semaphore_mem>> -> memref<1x!tpu.dma_semaphore, #tpu.memory_space<semaphore_mem>>
      %dma_start3A_359 = tpu.memref_squeeze %dma_start3A_358 : memref<1x!tpu.dma_semaphore, #tpu.memory_space<semaphore_mem>> -> memref<!tpu.dma_semaphore, #tpu.memory_space<semaphore_mem>>
      tpu.enqueue_indirect_dma source(%dma_start3A_357 : memref<10000x128xf32, #tpu.memory_space<hbm>>) target(%dma_start3A_351 : memref<80x128xf32, #tpu.memory_space<vmem>>) offsets(%dma_start3A_354 : memref<80xi32, #tpu.memory_space<vmem>>) semaphore(%dma_start3A_359 : memref<!tpu.dma_semaphore, #tpu.memory_space<semaphore_mem>>)
      %dma_start3A_360 = arith.constant 1 : i32
      %dma_start3A_361 = arith.constant 1 : i32
      %dma_start3A_362 = arith.constant 0 : i32
      %dma_start3A_363 = arith.constant 0 : i32
      %dma_start3A_364 = tpu.memref_slice %arg11[%dma_start3A_360, %dma_start3A_362, %dma_start3A_363] : memref<2x80x128xf32, #tpu.memory_space<vmem>> -> memref<1x80x128xf32, #tpu.memory_space<vmem>>
      %dma_start3A_365 = tpu.memref_squeeze %dma_start3A_364 : memref<1x80x128xf32, #tpu.memory_space<vmem>> -> memref<80x128xf32, #tpu.memory_space<vmem>>
      %dma_start3A_366 = arith.constant 0 : i32
      %dma_start3A_367 = tpu.memref_slice %arg3[%arg0, %add3A_344, %dma_start3A_366] : memref<2x160000x128xf32, #tpu.memory_space<hbm>> -> memref<1x80x128xf32, #tpu.memory_space<hbm>>
      %dma_start3A_368 = tpu.memref_squeeze %dma_start3A_367 : memref<1x80x128xf32, #tpu.memory_space<hbm>> -> memref<80x128xf32, #tpu.memory_space<hbm>>
      %dma_start3A_369 = tpu.memref_slice %arg14[%dma_start3A_361] : memref<2x!tpu.dma_semaphore, #tpu.memory_space<semaphore_mem>> -> memref<1x!tpu.dma_semaphore, #tpu.memory_space<semaphore_mem>>
      %dma_start3A_370 = tpu.memref_squeeze %dma_start3A_369 : memref<1x!tpu.dma_semaphore, #tpu.memory_space<semaphore_mem>> -> memref<!tpu.dma_semaphore, #tpu.memory_space<semaphore_mem>>
      %dma_start3A_371 = arith.constant 0 : i32
      %dma_start3A_372 = arith.constant 0 : i32
      %dma_start3A_373 = tpu.memref_slice %arg11[%dma_start3A_360, %dma_start3A_371, %dma_start3A_372] : memref<2x80x128xf32, #tpu.memory_space<vmem>> -> memref<1x80x128xf32, #tpu.memory_space<vmem>>
      %dma_start3A_374 = tpu.memref_squeeze %dma_start3A_373 : memref<1x80x128xf32, #tpu.memory_space<vmem>> -> memref<80x128xf32, #tpu.memory_space<vmem>>
      %dma_start3A_375 = arith.constant 0 : i32
      %dma_start3A_376 = tpu.memref_slice %arg3[%arg0, %add3A_344, %dma_start3A_375] : memref<2x160000x128xf32, #tpu.memory_space<hbm>> -> memref<1x80x128xf32, #tpu.memory_space<hbm>>
      %dma_start3A_377 = tpu.memref_squeeze %dma_start3A_376 : memref<1x80x128xf32, #tpu.memory_space<hbm>> -> memref<80x128xf32, #tpu.memory_space<hbm>>
      tpu.enqueue_dma source(%dma_start3A_377 : memref<80x128xf32, #tpu.memory_space<hbm>>) target(%dma_start3A_374 : memref<80x128xf32, #tpu.memory_space<vmem>>) target_semaphore(%dma_start3A_370 : memref<!tpu.dma_semaphore, #tpu.memory_space<semaphore_mem>>)
      %dma_wait3A_378 = arith.constant 0 : i32
      %dma_wait3A_379 = arith.constant 0 : i32
      %dma_wait3A_380 = arith.constant 0 : i32
      %dma_wait3A_381 = arith.constant 0 : i32
      %dma_wait3A_382 = arith.constant 0 : i32
      %dma_wait3A_383 = tpu.memref_slice %arg10[%dma_wait3A_379, %dma_wait3A_381, %dma_wait3A_382] : memref<2x80x128xf32, #tpu.memory_space<vmem>> -> memref<1x80x128xf32, #tpu.memory_space<vmem>>
      %dma_wait3A_384 = tpu.memref_squeeze %dma_wait3A_383 : memref<1x80x128xf32, #tpu.memory_space<vmem>> -> memref<80x128xf32, #tpu.memory_space<vmem>>
      %dma_wait3A_385 = arith.constant 0 : i32
      %dma_wait3A_386 = tpu.memref_slice %arg8[%dma_wait3A_378, %dma_wait3A_385] : memref<2x80xi32, #tpu.memory_space<vmem>> -> memref<1x80xi32, #tpu.memory_space<vmem>>
      %dma_wait3A_387 = tpu.memref_squeeze %dma_wait3A_386 : memref<1x80xi32, #tpu.memory_space<vmem>> -> memref<80xi32, #tpu.memory_space<vmem>>
      %dma_wait3A_388 = arith.constant 0 : i32
      %dma_wait3A_389 = arith.constant 0 : i32
      %dma_wait3A_390 = tpu.memref_slice %arg2[%dma_wait3A_388, %dma_wait3A_389] : memref<10000x128xf32, #tpu.memory_space<hbm>> -> memref<10000x128xf32, #tpu.memory_space<hbm>>
      %dma_wait3A_391 = tpu.memref_slice %arg13[%dma_wait3A_380] : memref<2x!tpu.dma_semaphore, #tpu.memory_space<semaphore_mem>> -> memref<1x!tpu.dma_semaphore, #tpu.memory_space<semaphore_mem>>
      %dma_wait3A_392 = tpu.memref_squeeze %dma_wait3A_391 : memref<1x!tpu.dma_semaphore, #tpu.memory_space<semaphore_mem>> -> memref<!tpu.dma_semaphore, #tpu.memory_space<semaphore_mem>>
      tpu.wait_indirect_dma semaphore(%dma_wait3A_392 : memref<!tpu.dma_semaphore, #tpu.memory_space<semaphore_mem>>) src(%dma_wait3A_390 : memref<10000x128xf32, #tpu.memory_space<hbm>>) dst(%dma_wait3A_384 : memref<80x128xf32, #tpu.memory_space<vmem>>)
      %dma_wait3A_393 = arith.constant 0 : i32
      %dma_wait3A_394 = arith.constant 0 : i32
      %dma_wait3A_395 = arith.constant 0 : i32
      %dma_wait3A_396 = arith.constant 0 : i32
      %dma_wait3A_397 = tpu.memref_slice %arg11[%dma_wait3A_393, %dma_wait3A_395, %dma_wait3A_396] : memref<2x80x128xf32, #tpu.memory_space<vmem>> -> memref<1x80x128xf32, #tpu.memory_space<vmem>>
      %dma_wait3A_398 = tpu.memref_squeeze %dma_wait3A_397 : memref<1x80x128xf32, #tpu.memory_space<vmem>> -> memref<80x128xf32, #tpu.memory_space<vmem>>
      %dma_wait3A_399 = arith.constant 0 : i32
      %dma_wait3A_400 = arith.constant 0 : i32
      %dma_wait3A_401 = tpu.memref_slice %arg3[%arg0, %dma_wait3A_399, %dma_wait3A_400] : memref<2x160000x128xf32, #tpu.memory_space<hbm>> -> memref<1x80x128xf32, #tpu.memory_space<hbm>>
      %dma_wait3A_402 = tpu.memref_squeeze %dma_wait3A_401 : memref<1x80x128xf32, #tpu.memory_space<hbm>> -> memref<80x128xf32, #tpu.memory_space<hbm>>
      %dma_wait3A_403 = tpu.memref_slice %arg14[%dma_wait3A_394] : memref<2x!tpu.dma_semaphore, #tpu.memory_space<semaphore_mem>> -> memref<1x!tpu.dma_semaphore, #tpu.memory_space<semaphore_mem>>
      %dma_wait3A_404 = tpu.memref_squeeze %dma_wait3A_403 : memref<1x!tpu.dma_semaphore, #tpu.memory_space<semaphore_mem>> -> memref<!tpu.dma_semaphore, #tpu.memory_space<semaphore_mem>>
      %dma_wait3A_405 = arith.constant 0 : i32
      %dma_wait3A_406 = arith.constant 0 : i32
      %dma_wait3A_407 = tpu.memref_slice %arg11[%dma_wait3A_393, %dma_wait3A_405, %dma_wait3A_406] : memref<2x80x128xf32, #tpu.memory_space<vmem>> -> memref<1x80x128xf32, #tpu.memory_space<vmem>>
      %dma_wait3A_408 = tpu.memref_squeeze %dma_wait3A_407 : memref<1x80x128xf32, #tpu.memory_space<vmem>> -> memref<80x128xf32, #tpu.memory_space<vmem>>
      %dma_wait3A_409 = arith.constant 0 : i32
      %dma_wait3A_410 = arith.constant 0 : i32
      %dma_wait3A_411 = tpu.memref_slice %arg3[%arg0, %dma_wait3A_409, %dma_wait3A_410] : memref<2x160000x128xf32, #tpu.memory_space<hbm>> -> memref<1x80x128xf32, #tpu.memory_space<hbm>>
      %dma_wait3A_412 = tpu.memref_squeeze %dma_wait3A_411 : memref<1x80x128xf32, #tpu.memory_space<hbm>> -> memref<80x128xf32, #tpu.memory_space<hbm>>
      tpu.wait_dma2 semaphore(%dma_wait3A_404 : memref<!tpu.dma_semaphore, #tpu.memory_space<semaphore_mem>>) src(%dma_wait3A_412 : memref<80x128xf32, #tpu.memory_space<hbm>>) dst(%dma_wait3A_408 : memref<80x128xf32, #tpu.memory_space<vmem>>)
      %scan3A_413 = arith.constant 0 : i32
      %scan3A_414 = arith.constant 0 : i32
      %scan3A_415 = arith.constant 80 : i32
      %scan3A_416 = arith.addi %scan3A_414, %scan3A_415 : i32
      %scan3A_417 = arith.constant 1 : i32
      scf.for %scan3A_547 = %scan3A_414 to %scan3A_416 step %scan3A_417  : i32 {
        %get3A = arith.constant 0 : i32
        %get3A_548 = arith.index_cast %get3A : i32 to index
        %get3A_549 = arith.index_cast %scan3A_547 : i32 to index
        %get3A_550 = arith.constant 0 : index
        %get3A_551 = tpu.vector_load %arg10[%get3A_548, %get3A_549, %get3A_550] {strides = array<i32>} : memref<2x80x128xf32, #tpu.memory_space<vmem>>, vector<1x1x16xf32>,
        %get3A_552 = vector.shape_cast %get3A_551 : vector<1x1x16xf32> to vector<16xf32>
        %get3A_553 = arith.constant 0 : i32
        %get3A_554 = arith.index_cast %get3A_553 : i32 to index
        %get3A_555 = arith.index_cast %scan3A_547 : i32 to index
        %get3A_556 = arith.constant 16 : index
        %get3A_557 = tpu.vector_load %arg10[%get3A_554, %get3A_555, %get3A_556] {strides = array<i32>} : memref<2x80x128xf32, #tpu.memory_space<vmem>>, vector<1x1x16xf32>,
        %get3A_558 = vector.shape_cast %get3A_557 : vector<1x1x16xf32> to vector<16xf32>
        %get3A_559 = arith.constant 0 : i32
        %get3A_560 = arith.index_cast %get3A_559 : i32 to index
        %get3A_561 = arith.index_cast %scan3A_547 : i32 to index
        %get3A_562 = arith.constant 32 : index
        %get3A_563 = tpu.vector_load %arg10[%get3A_560, %get3A_561, %get3A_562] {strides = array<i32>} : memref<2x80x128xf32, #tpu.memory_space<vmem>>, vector<1x1x16xf32>,
        %get3A_564 = vector.shape_cast %get3A_563 : vector<1x1x16xf32> to vector<16xf32>
        %get3A_565 = arith.constant 0 : i32
        %get3A_566 = arith.index_cast %get3A_565 : i32 to index
        %get3A_567 = arith.index_cast %scan3A_547 : i32 to index
        %get3A_568 = arith.constant 48 : index
        %get3A_569 = tpu.vector_load %arg10[%get3A_566, %get3A_567, %get3A_568] {strides = array<i32>} : memref<2x80x128xf32, #tpu.memory_space<vmem>>, vector<1x1x16xf32>,
        %get3A_570 = vector.shape_cast %get3A_569 : vector<1x1x16xf32> to vector<16xf32>
        %get3A_571 = arith.constant 0 : i32
        %get3A_572 = arith.index_cast %get3A_571 : i32 to index
        %get3A_573 = arith.index_cast %scan3A_547 : i32 to index
        %get3A_574 = arith.constant 0 : index
        %get3A_575 = tpu.vector_load %arg11[%get3A_572, %get3A_573, %get3A_574] {strides = array<i32>} : memref<2x80x128xf32, #tpu.memory_space<vmem>>, vector<1x1x16xf32>,
        %get3A_576 = vector.shape_cast %get3A_575 : vector<1x1x16xf32> to vector<16xf32>
        %mul3A_577 = arith.mulf %get3A_552, %get3A_576 : vector<16xf32>
        %swap3A = arith.constant 0 : i32
        %swap3A_578 = arith.index_cast %swap3A : i32 to index
        %swap3A_579 = arith.index_cast %scan3A_547 : i32 to index
        %swap3A_580 = arith.constant 0 : index
        %swap3A_581 = tpu.vector_load %arg11[%swap3A_578, %swap3A_579, %swap3A_580] {strides = array<i32>} : memref<2x80x128xf32, #tpu.memory_space<vmem>>, vector<1x1x16xf32>,
        %swap3A_582 = vector.shape_cast %swap3A_581 : vector<1x1x16xf32> to vector<16xf32>
        %swap3A_583 = vector.shape_cast %mul3A_577 : vector<16xf32> to vector<1x1x16xf32>
        tpu.vector_store %arg11[%swap3A_578, %swap3A_579, %swap3A_580], %swap3A_583 {strides = array<i32>} : memref<2x80x128xf32, #tpu.memory_space<vmem>>, vector<1x1x16xf32>,
        %get3A_584 = arith.constant 0 : i32
        %get3A_585 = arith.index_cast %get3A_584 : i32 to index
        %get3A_586 = arith.index_cast %scan3A_547 : i32 to index
        %get3A_587 = arith.constant 16 : index
        %get3A_588 = tpu.vector_load %arg11[%get3A_585, %get3A_586, %get3A_587] {strides = array<i32>} : memref<2x80x128xf32, #tpu.memory_space<vmem>>, vector<1x1x16xf32>,
        %get3A_589 = vector.shape_cast %get3A_588 : vector<1x1x16xf32> to vector<16xf32>
        %mul3A_590 = arith.mulf %get3A_558, %get3A_589 : vector<16xf32>
        %swap3A_591 = arith.constant 0 : i32
        %swap3A_592 = arith.index_cast %swap3A_591 : i32 to index
        %swap3A_593 = arith.index_cast %scan3A_547 : i32 to index
        %swap3A_594 = arith.constant 16 : index
        %swap3A_595 = tpu.vector_load %arg11[%swap3A_592, %swap3A_593, %swap3A_594] {strides = array<i32>} : memref<2x80x128xf32, #tpu.memory_space<vmem>>, vector<1x1x16xf32>,
        %swap3A_596 = vector.shape_cast %swap3A_595 : vector<1x1x16xf32> to vector<16xf32>
        %swap3A_597 = vector.shape_cast %mul3A_590 : vector<16xf32> to vector<1x1x16xf32>
        tpu.vector_store %arg11[%swap3A_592, %swap3A_593, %swap3A_594], %swap3A_597 {strides = array<i32>} : memref<2x80x128xf32, #tpu.memory_space<vmem>>, vector<1x1x16xf32>,
        %get3A_598 = arith.constant 0 : i32
        %get3A_599 = arith.index_cast %get3A_598 : i32 to index
        %get3A_600 = arith.index_cast %scan3A_547 : i32 to index
        %get3A_601 = arith.constant 32 : index
        %get3A_602 = tpu.vector_load %arg11[%get3A_599, %get3A_600, %get3A_601] {strides = array<i32>} : memref<2x80x128xf32, #tpu.memory_space<vmem>>, vector<1x1x16xf32>,
        %get3A_603 = vector.shape_cast %get3A_602 : vector<1x1x16xf32> to vector<16xf32>
        %mul3A_604 = arith.mulf %get3A_564, %get3A_603 : vector<16xf32>
        %swap3A_605 = arith.constant 0 : i32
        %swap3A_606 = arith.index_cast %swap3A_605 : i32 to index
        %swap3A_607 = arith.index_cast %scan3A_547 : i32 to index
        %swap3A_608 = arith.constant 32 : index
        %swap3A_609 = tpu.vector_load %arg11[%swap3A_606, %swap3A_607, %swap3A_608] {strides = array<i32>} : memref<2x80x128xf32, #tpu.memory_space<vmem>>, vector<1x1x16xf32>,
        %swap3A_610 = vector.shape_cast %swap3A_609 : vector<1x1x16xf32> to vector<16xf32>
        %swap3A_611 = vector.shape_cast %mul3A_604 : vector<16xf32> to vector<1x1x16xf32>
        tpu.vector_store %arg11[%swap3A_606, %swap3A_607, %swap3A_608], %swap3A_611 {strides = array<i32>} : memref<2x80x128xf32, #tpu.memory_space<vmem>>, vector<1x1x16xf32>,
        %get3A_612 = arith.constant 0 : i32
        %get3A_613 = arith.index_cast %get3A_612 : i32 to index
        %get3A_614 = arith.index_cast %scan3A_547 : i32 to index
        %get3A_615 = arith.constant 48 : index
        %get3A_616 = tpu.vector_load %arg11[%get3A_613, %get3A_614, %get3A_615] {strides = array<i32>} : memref<2x80x128xf32, #tpu.memory_space<vmem>>, vector<1x1x16xf32>,
        %get3A_617 = vector.shape_cast %get3A_616 : vector<1x1x16xf32> to vector<16xf32>
        %mul3A_618 = arith.mulf %get3A_570, %get3A_617 : vector<16xf32>
        %swap3A_619 = arith.constant 0 : i32
        %swap3A_620 = arith.index_cast %swap3A_619 : i32 to index
        %swap3A_621 = arith.index_cast %scan3A_547 : i32 to index
        %swap3A_622 = arith.constant 48 : index
        %swap3A_623 = tpu.vector_load %arg11[%swap3A_620, %swap3A_621, %swap3A_622] {strides = array<i32>} : memref<2x80x128xf32, #tpu.memory_space<vmem>>, vector<1x1x16xf32>,
        %swap3A_624 = vector.shape_cast %swap3A_623 : vector<1x1x16xf32> to vector<16xf32>
        %swap3A_625 = vector.shape_cast %mul3A_618 : vector<16xf32> to vector<1x1x16xf32>
        tpu.vector_store %arg11[%swap3A_620, %swap3A_621, %swap3A_622], %swap3A_625 {strides = array<i32>} : memref<2x80x128xf32, #tpu.memory_space<vmem>>, vector<1x1x16xf32>,
        %get3A_626 = arith.constant 0 : i32
        %get3A_627 = arith.index_cast %get3A_626 : i32 to index
        %get3A_628 = arith.index_cast %scan3A_547 : i32 to index
        %get3A_629 = arith.constant 64 : index
        %get3A_630 = tpu.vector_load %arg11[%get3A_627, %get3A_628, %get3A_629] {strides = array<i32>} : memref<2x80x128xf32, #tpu.memory_space<vmem>>, vector<1x1x16xf32>,
        %get3A_631 = vector.shape_cast %get3A_630 : vector<1x1x16xf32> to vector<16xf32>
        %mul3A_632 = arith.mulf %get3A_552, %get3A_631 : vector<16xf32>
        %swap3A_633 = arith.constant 0 : i32
        %swap3A_634 = arith.index_cast %swap3A_633 : i32 to index
        %swap3A_635 = arith.index_cast %scan3A_547 : i32 to index
        %swap3A_636 = arith.constant 64 : index
        %swap3A_637 = tpu.vector_load %arg11[%swap3A_634, %swap3A_635, %swap3A_636] {strides = array<i32>} : memref<2x80x128xf32, #tpu.memory_space<vmem>>, vector<1x1x16xf32>,
        %swap3A_638 = vector.shape_cast %swap3A_637 : vector<1x1x16xf32> to vector<16xf32>
        %swap3A_639 = vector.shape_cast %mul3A_632 : vector<16xf32> to vector<1x1x16xf32>
        tpu.vector_store %arg11[%swap3A_634, %swap3A_635, %swap3A_636], %swap3A_639 {strides = array<i32>} : memref<2x80x128xf32, #tpu.memory_space<vmem>>, vector<1x1x16xf32>,
        %get3A_640 = arith.constant 0 : i32
        %get3A_641 = arith.index_cast %get3A_640 : i32 to index
        %get3A_642 = arith.index_cast %scan3A_547 : i32 to index
        %get3A_643 = arith.constant 80 : index
        %get3A_644 = tpu.vector_load %arg11[%get3A_641, %get3A_642, %get3A_643] {strides = array<i32>} : memref<2x80x128xf32, #tpu.memory_space<vmem>>, vector<1x1x16xf32>,
        %get3A_645 = vector.shape_cast %get3A_644 : vector<1x1x16xf32> to vector<16xf32>
        %mul3A_646 = arith.mulf %get3A_558, %get3A_645 : vector<16xf32>
        %swap3A_647 = arith.constant 0 : i32
        %swap3A_648 = arith.index_cast %swap3A_647 : i32 to index
        %swap3A_649 = arith.index_cast %scan3A_547 : i32 to index
        %swap3A_650 = arith.constant 80 : index
        %swap3A_651 = tpu.vector_load %arg11[%swap3A_648, %swap3A_649, %swap3A_650] {strides = array<i32>} : memref<2x80x128xf32, #tpu.memory_space<vmem>>, vector<1x1x16xf32>,
        %swap3A_652 = vector.shape_cast %swap3A_651 : vector<1x1x16xf32> to vector<16xf32>
        %swap3A_653 = vector.shape_cast %mul3A_646 : vector<16xf32> to vector<1x1x16xf32>
        tpu.vector_store %arg11[%swap3A_648, %swap3A_649, %swap3A_650], %swap3A_653 {strides = array<i32>} : memref<2x80x128xf32, #tpu.memory_space<vmem>>, vector<1x1x16xf32>,
        %get3A_654 = arith.constant 0 : i32
        %get3A_655 = arith.index_cast %get3A_654 : i32 to index
        %get3A_656 = arith.index_cast %scan3A_547 : i32 to index
        %get3A_657 = arith.constant 96 : index
        %get3A_658 = tpu.vector_load %arg11[%get3A_655, %get3A_656, %get3A_657] {strides = array<i32>} : memref<2x80x128xf32, #tpu.memory_space<vmem>>, vector<1x1x16xf32>,
        %get3A_659 = vector.shape_cast %get3A_658 : vector<1x1x16xf32> to vector<16xf32>
        %mul3A_660 = arith.mulf %get3A_564, %get3A_659 : vector<16xf32>
        %swap3A_661 = arith.constant 0 : i32
        %swap3A_662 = arith.index_cast %swap3A_661 : i32 to index
        %swap3A_663 = arith.index_cast %scan3A_547 : i32 to index
        %swap3A_664 = arith.constant 96 : index
        %swap3A_665 = tpu.vector_load %arg11[%swap3A_662, %swap3A_663, %swap3A_664] {strides = array<i32>} : memref<2x80x128xf32, #tpu.memory_space<vmem>>, vector<1x1x16xf32>,
        %swap3A_666 = vector.shape_cast %swap3A_665 : vector<1x1x16xf32> to vector<16xf32>
        %swap3A_667 = vector.shape_cast %mul3A_660 : vector<16xf32> to vector<1x1x16xf32>
        tpu.vector_store %arg11[%swap3A_662, %swap3A_663, %swap3A_664], %swap3A_667 {strides = array<i32>} : memref<2x80x128xf32, #tpu.memory_space<vmem>>, vector<1x1x16xf32>,
        %get3A_668 = arith.constant 0 : i32
        %get3A_669 = arith.index_cast %get3A_668 : i32 to index
        %get3A_670 = arith.index_cast %scan3A_547 : i32 to index
        %get3A_671 = arith.constant 112 : index
        %get3A_672 = tpu.vector_load %arg11[%get3A_669, %get3A_670, %get3A_671] {strides = array<i32>} : memref<2x80x128xf32, #tpu.memory_space<vmem>>, vector<1x1x16xf32>,
        %get3A_673 = vector.shape_cast %get3A_672 : vector<1x1x16xf32> to vector<16xf32>
        %mul3A_674 = arith.mulf %get3A_570, %get3A_673 : vector<16xf32>
        %swap3A_675 = arith.constant 0 : i32
        %swap3A_676 = arith.index_cast %swap3A_675 : i32 to index
        %swap3A_677 = arith.index_cast %scan3A_547 : i32 to index
        %swap3A_678 = arith.constant 112 : index
        %swap3A_679 = tpu.vector_load %arg11[%swap3A_676, %swap3A_677, %swap3A_678] {strides = array<i32>} : memref<2x80x128xf32, #tpu.memory_space<vmem>>, vector<1x1x16xf32>,
        %swap3A_680 = vector.shape_cast %swap3A_679 : vector<1x1x16xf32> to vector<16xf32>
        %swap3A_681 = vector.shape_cast %mul3A_674 : vector<16xf32> to vector<1x1x16xf32>
        tpu.vector_store %arg11[%swap3A_676, %swap3A_677, %swap3A_678], %swap3A_681 {strides = array<i32>} : memref<2x80x128xf32, #tpu.memory_space<vmem>>, vector<1x1x16xf32>,
      }
      %scan3A_418 = arith.constant 80 : i32
      %run_scoped3A_419 = arith.constant 0 : i32
      %run_scoped3A_420 = arith.constant 0 : i32
      "tpu.region"() ({
        %run_scoped3A_547 = tpu.sem_alloc : memref<!tpu.dma_semaphore, #tpu.memory_space<semaphore_mem>>
        %dma_start3A_548 = arith.constant 0 : i32
        %dma_start3A_549 = arith.constant 0 : i32
        %dma_start3A_550 = tpu.memref_slice %arg11[%run_scoped3A_419, %dma_start3A_548, %dma_start3A_549] : memref<2x80x128xf32, #tpu.memory_space<vmem>> -> memref<1x80x128xf32, #tpu.memory_space<vmem>>
        %dma_start3A_551 = tpu.memref_squeeze %dma_start3A_550 : memref<1x80x128xf32, #tpu.memory_space<vmem>> -> memref<80x128xf32, #tpu.memory_space<vmem>>
        %dma_start3A_552 = arith.constant 0 : i32
        %dma_start3A_553 = tpu.memref_slice %arg9[%run_scoped3A_420, %dma_start3A_552] : memref<2x80xi32, #tpu.memory_space<vmem>> -> memref<1x80xi32, #tpu.memory_space<vmem>>
        %dma_start3A_554 = tpu.memref_squeeze %dma_start3A_553 : memref<1x80xi32, #tpu.memory_space<vmem>> -> memref<80xi32, #tpu.memory_space<vmem>>
        %dma_start3A_555 = arith.constant 0 : i32
        %dma_start3A_556 = arith.constant 0 : i32
        %dma_start3A_557 = tpu.memref_slice %arg7[%dma_start3A_555, %dma_start3A_556] : memref<10000x128xf32, #tpu.memory_space<vmem_shared>> -> memref<10000x128xf32, #tpu.memory_space<vmem_shared>>
        tpu.enqueue_indirect_dma source(%dma_start3A_551 : memref<80x128xf32, #tpu.memory_space<vmem>>) target(%dma_start3A_557 : memref<10000x128xf32, #tpu.memory_space<vmem_shared>>) offsets(%dma_start3A_554 : memref<80xi32, #tpu.memory_space<vmem>>) semaphore(%run_scoped3A_547 : memref<!tpu.dma_semaphore, #tpu.memory_space<semaphore_mem>>) {add = true}
        %dma_wait3A_558 = arith.constant 0 : i32
        %dma_wait3A_559 = arith.constant 0 : i32
        %dma_wait3A_560 = tpu.memref_slice %arg11[%run_scoped3A_419, %dma_wait3A_558, %dma_wait3A_559] : memref<2x80x128xf32, #tpu.memory_space<vmem>> -> memref<1x80x128xf32, #tpu.memory_space<vmem>>
        %dma_wait3A_561 = tpu.memref_squeeze %dma_wait3A_560 : memref<1x80x128xf32, #tpu.memory_space<vmem>> -> memref<80x128xf32, #tpu.memory_space<vmem>>
        %dma_wait3A_562 = arith.constant 0 : i32
        %dma_wait3A_563 = tpu.memref_slice %arg9[%run_scoped3A_420, %dma_wait3A_562] : memref<2x80xi32, #tpu.memory_space<vmem>> -> memref<1x80xi32, #tpu.memory_space<vmem>>
        %dma_wait3A_564 = tpu.memref_squeeze %dma_wait3A_563 : memref<1x80xi32, #tpu.memory_space<vmem>> -> memref<80xi32, #tpu.memory_space<vmem>>
        %dma_wait3A_565 = arith.constant 0 : i32
        %dma_wait3A_566 = arith.constant 0 : i32
        %dma_wait3A_567 = tpu.memref_slice %arg7[%dma_wait3A_565, %dma_wait3A_566] : memref<10000x128xf32, #tpu.memory_space<vmem_shared>> -> memref<10000x128xf32, #tpu.memory_space<vmem_shared>>
        tpu.wait_indirect_dma semaphore(%run_scoped3A_547 : memref<!tpu.dma_semaphore, #tpu.memory_space<semaphore_mem>>) src(%dma_wait3A_561 : memref<80x128xf32, #tpu.memory_space<vmem>>) dst(%dma_wait3A_567 : memref<10000x128xf32, #tpu.memory_space<vmem_shared>>)
        tpu.yield
      }) : () -> ()
      %add3A_421 = arith.constant 2 : i32
      %add3A_422 = arith.addi %mul3A_311, %add3A_421 : i32
      %lt3A = arith.constant 125 : i32
      %lt3A_423 = arith.cmpi slt, %add3A_422, %lt3A : i32
      %convert_element_type3A_424 = arith.extui %lt3A_423 : i1 to i32
      %cond3A_425 = arith.constant 0 : i32
      %cond3A_426 = arith.cmpi ne, %convert_element_type3A_424, %cond3A_425 : i32
      scf.if %cond3A_426 {
        %add3A_547 = arith.constant 2 : i32
        %add3A_548 = arith.addi %mul3A_311, %add3A_547 : i32
        %mul3A_549 = arith.constant 80 : i32
        %mul3A_550 = arith.muli %add3A_548, %mul3A_549 : i32
        %add3A_551 = arith.addi %mul3A_0, %mul3A_550 : i32
        %dma_start3A_552 = arith.constant 0 : i32
        %dma_start3A_553 = arith.constant 0 : i32
        %dma_start3A_554 = arith.constant 0 : i32
        %dma_start3A_555 = tpu.memref_slice %arg8[%dma_start3A_552, %dma_start3A_554] : memref<2x80xi32, #tpu.memory_space<vmem>> -> memref<1x80xi32, #tpu.memory_space<vmem>>
        %dma_start3A_556 = tpu.memref_squeeze %dma_start3A_555 : memref<1x80xi32, #tpu.memory_space<vmem>> -> memref<80xi32, #tpu.memory_space<vmem>>
        %dma_start3A_557 = tpu.memref_slice %arg4[%add3A_551] : memref<160000xi32, #tpu.memory_space<hbm>> -> memref<80xi32, #tpu.memory_space<hbm>>
        %dma_start3A_558 = tpu.memref_slice %arg15[%dma_start3A_553] : memref<2x!tpu.dma_semaphore, #tpu.memory_space<semaphore_mem>> -> memref<1x!tpu.dma_semaphore, #tpu.memory_space<semaphore_mem>>
        %dma_start3A_559 = tpu.memref_squeeze %dma_start3A_558 : memref<1x!tpu.dma_semaphore, #tpu.memory_space<semaphore_mem>> -> memref<!tpu.dma_semaphore, #tpu.memory_space<semaphore_mem>>
        %dma_start3A_560 = arith.constant 0 : i32
        %dma_start3A_561 = tpu.memref_slice %arg8[%dma_start3A_552, %dma_start3A_560] : memref<2x80xi32, #tpu.memory_space<vmem>> -> memref<1x80xi32, #tpu.memory_space<vmem>>
        %dma_start3A_562 = tpu.memref_squeeze %dma_start3A_561 : memref<1x80xi32, #tpu.memory_space<vmem>> -> memref<80xi32, #tpu.memory_space<vmem>>
        %dma_start3A_563 = tpu.memref_slice %arg4[%add3A_551] : memref<160000xi32, #tpu.memory_space<hbm>> -> memref<80xi32, #tpu.memory_space<hbm>>
        tpu.enqueue_dma source(%dma_start3A_563 : memref<80xi32, #tpu.memory_space<hbm>>) target(%dma_start3A_562 : memref<80xi32, #tpu.memory_space<vmem>>) target_semaphore(%dma_start3A_559 : memref<!tpu.dma_semaphore, #tpu.memory_space<semaphore_mem>>)
        %dma_start3A_564 = arith.constant 0 : i32
        %dma_start3A_565 = arith.constant 0 : i32
        %dma_start3A_566 = arith.constant 0 : i32
        %dma_start3A_567 = tpu.memref_slice %arg9[%dma_start3A_564, %dma_start3A_566] : memref<2x80xi32, #tpu.memory_space<vmem>> -> memref<1x80xi32, #tpu.memory_space<vmem>>
        %dma_start3A_568 = tpu.memref_squeeze %dma_start3A_567 : memref<1x80xi32, #tpu.memory_space<vmem>> -> memref<80xi32, #tpu.memory_space<vmem>>
        %dma_start3A_569 = tpu.memref_slice %arg5[%add3A_551] : memref<160000xi32, #tpu.memory_space<hbm>> -> memref<80xi32, #tpu.memory_space<hbm>>
        %dma_start3A_570 = tpu.memref_slice %arg15[%dma_start3A_565] : memref<2x!tpu.dma_semaphore, #tpu.memory_space<semaphore_mem>> -> memref<1x!tpu.dma_semaphore, #tpu.memory_space<semaphore_mem>>
        %dma_start3A_571 = tpu.memref_squeeze %dma_start3A_570 : memref<1x!tpu.dma_semaphore, #tpu.memory_space<semaphore_mem>> -> memref<!tpu.dma_semaphore, #tpu.memory_space<semaphore_mem>>
        %dma_start3A_572 = arith.constant 0 : i32
        %dma_start3A_573 = tpu.memref_slice %arg9[%dma_start3A_564, %dma_start3A_572] : memref<2x80xi32, #tpu.memory_space<vmem>> -> memref<1x80xi32, #tpu.memory_space<vmem>>
        %dma_start3A_574 = tpu.memref_squeeze %dma_start3A_573 : memref<1x80xi32, #tpu.memory_space<vmem>> -> memref<80xi32, #tpu.memory_space<vmem>>
        %dma_start3A_575 = tpu.memref_slice %arg5[%add3A_551] : memref<160000xi32, #tpu.memory_space<hbm>> -> memref<80xi32, #tpu.memory_space<hbm>>
        tpu.enqueue_dma source(%dma_start3A_575 : memref<80xi32, #tpu.memory_space<hbm>>) target(%dma_start3A_574 : memref<80xi32, #tpu.memory_space<vmem>>) target_semaphore(%dma_start3A_571 : memref<!tpu.dma_semaphore, #tpu.memory_space<semaphore_mem>>)
      } else {
      }
      %mul3A_427 = arith.constant 2 : i32
      %mul3A_428 = arith.muli %mul3A_427, %scan3A_309 : i32
      %add3A_429 = arith.constant 1 : i32
      %add3A_430 = arith.addi %mul3A_428, %add3A_429 : i32
      %dma_wait3A_431 = arith.constant 0 : i32
      %dma_wait3A_432 = arith.constant 0 : i32
      %dma_wait3A_433 = arith.constant 0 : i32
      %dma_wait3A_434 = tpu.memref_slice %arg8[%dma_wait3A_431, %dma_wait3A_433] : memref<2x80xi32, #tpu.memory_space<vmem>> -> memref<1x80xi32, #tpu.memory_space<vmem>>
      %dma_wait3A_435 = tpu.memref_squeeze %dma_wait3A_434 : memref<1x80xi32, #tpu.memory_space<vmem>> -> memref<80xi32, #tpu.memory_space<vmem>>
      %dma_wait3A_436 = arith.constant 0 : i32
      %dma_wait3A_437 = tpu.memref_slice %arg4[%dma_wait3A_436] : memref<160000xi32, #tpu.memory_space<hbm>> -> memref<80xi32, #tpu.memory_space<hbm>>
      %dma_wait3A_438 = tpu.memref_slice %arg15[%dma_wait3A_432] : memref<2x!tpu.dma_semaphore, #tpu.memory_space<semaphore_mem>> -> memref<1x!tpu.dma_semaphore, #tpu.memory_space<semaphore_mem>>
      %dma_wait3A_439 = tpu.memref_squeeze %dma_wait3A_438 : memref<1x!tpu.dma_semaphore, #tpu.memory_space<semaphore_mem>> -> memref<!tpu.dma_semaphore, #tpu.memory_space<semaphore_mem>>
      %dma_wait3A_440 = arith.constant 0 : i32
      %dma_wait3A_441 = tpu.memref_slice %arg8[%dma_wait3A_431, %dma_wait3A_440] : memref<2x80xi32, #tpu.memory_space<vmem>> -> memref<1x80xi32, #tpu.memory_space<vmem>>
      %dma_wait3A_442 = tpu.memref_squeeze %dma_wait3A_441 : memref<1x80xi32, #tpu.memory_space<vmem>> -> memref<80xi32, #tpu.memory_space<vmem>>
      %dma_wait3A_443 = arith.constant 0 : i32
      %dma_wait3A_444 = tpu.memref_slice %arg4[%dma_wait3A_443] : memref<160000xi32, #tpu.memory_space<hbm>> -> memref<80xi32, #tpu.memory_space<hbm>>
      tpu.wait_dma2 semaphore(%dma_wait3A_439 : memref<!tpu.dma_semaphore, #tpu.memory_space<semaphore_mem>>) src(%dma_wait3A_444 : memref<80xi32, #tpu.memory_space<hbm>>) dst(%dma_wait3A_442 : memref<80xi32, #tpu.memory_space<vmem>>)
      %dma_wait3A_445 = arith.constant 0 : i32
      %dma_wait3A_446 = arith.constant 0 : i32
      %dma_wait3A_447 = arith.constant 0 : i32
      %dma_wait3A_448 = tpu.memref_slice %arg9[%dma_wait3A_445, %dma_wait3A_447] : memref<2x80xi32, #tpu.memory_space<vmem>> -> memref<1x80xi32, #tpu.memory_space<vmem>>
      %dma_wait3A_449 = tpu.memref_squeeze %dma_wait3A_448 : memref<1x80xi32, #tpu.memory_space<vmem>> -> memref<80xi32, #tpu.memory_space<vmem>>
      %dma_wait3A_450 = arith.constant 0 : i32
      %dma_wait3A_451 = tpu.memref_slice %arg5[%dma_wait3A_450] : memref<160000xi32, #tpu.memory_space<hbm>> -> memref<80xi32, #tpu.memory_space<hbm>>
      %dma_wait3A_452 = tpu.memref_slice %arg15[%dma_wait3A_446] : memref<2x!tpu.dma_semaphore, #tpu.memory_space<semaphore_mem>> -> memref<1x!tpu.dma_semaphore, #tpu.memory_space<semaphore_mem>>
      %dma_wait3A_453 = tpu.memref_squeeze %dma_wait3A_452 : memref<1x!tpu.dma_semaphore, #tpu.memory_space<semaphore_mem>> -> memref<!tpu.dma_semaphore, #tpu.memory_space<semaphore_mem>>
      %dma_wait3A_454 = arith.constant 0 : i32
      %dma_wait3A_455 = tpu.memref_slice %arg9[%dma_wait3A_445, %dma_wait3A_454] : memref<2x80xi32, #tpu.memory_space<vmem>> -> memref<1x80xi32, #tpu.memory_space<vmem>>
      %dma_wait3A_456 = tpu.memref_squeeze %dma_wait3A_455 : memref<1x80xi32, #tpu.memory_space<vmem>> -> memref<80xi32, #tpu.memory_space<vmem>>
      %dma_wait3A_457 = arith.constant 0 : i32
      %dma_wait3A_458 = tpu.memref_slice %arg5[%dma_wait3A_457] : memref<160000xi32, #tpu.memory_space<hbm>> -> memref<80xi32, #tpu.memory_space<hbm>>
      tpu.wait_dma2 semaphore(%dma_wait3A_453 : memref<!tpu.dma_semaphore, #tpu.memory_space<semaphore_mem>>) src(%dma_wait3A_458 : memref<80xi32, #tpu.memory_space<hbm>>) dst(%dma_wait3A_456 : memref<80xi32, #tpu.memory_space<vmem>>)
      %add3A_459 = arith.constant 1 : i32
      %add3A_460 = arith.addi %add3A_430, %add3A_459 : i32
      %mul3A_461 = arith.constant 80 : i32
      %mul3A_462 = arith.muli %add3A_460, %mul3A_461 : i32
      %add3A_463 = arith.addi %mul3A_0, %mul3A_462 : i32
      %dma_start3A_464 = arith.constant 0 : i32
      %dma_start3A_465 = arith.constant 0 : i32
      %dma_start3A_466 = arith.constant 0 : i32
      %dma_start3A_467 = arith.constant 0 : i32
      %dma_start3A_468 = arith.constant 0 : i32
      %dma_start3A_469 = tpu.memref_slice %arg10[%dma_start3A_465, %dma_start3A_467, %dma_start3A_468] : memref<2x80x128xf32, #tpu.memory_space<vmem>> -> memref<1x80x128xf32, #tpu.memory_space<vmem>>
      %dma_start3A_470 = tpu.memref_squeeze %dma_start3A_469 : memref<1x80x128xf32, #tpu.memory_space<vmem>> -> memref<80x128xf32, #tpu.memory_space<vmem>>
      %dma_start3A_471 = arith.constant 0 : i32
      %dma_start3A_472 = tpu.memref_slice %arg8[%dma_start3A_464, %dma_start3A_471] : memref<2x80xi32, #tpu.memory_space<vmem>> -> memref<1x80xi32, #tpu.memory_space<vmem>>
      %dma_start3A_473 = tpu.memref_squeeze %dma_start3A_472 : memref<1x80xi32, #tpu.memory_space<vmem>> -> memref<80xi32, #tpu.memory_space<vmem>>
      %dma_start3A_474 = arith.constant 0 : i32
      %dma_start3A_475 = arith.constant 0 : i32
      %dma_start3A_476 = tpu.memref_slice %arg2[%dma_start3A_474, %dma_start3A_475] : memref<10000x128xf32, #tpu.memory_space<hbm>> -> memref<10000x128xf32, #tpu.memory_space<hbm>>
      %dma_start3A_477 = tpu.memref_slice %arg13[%dma_start3A_466] : memref<2x!tpu.dma_semaphore, #tpu.memory_space<semaphore_mem>> -> memref<1x!tpu.dma_semaphore, #tpu.memory_space<semaphore_mem>>
      %dma_start3A_478 = tpu.memref_squeeze %dma_start3A_477 : memref<1x!tpu.dma_semaphore, #tpu.memory_space<semaphore_mem>> -> memref<!tpu.dma_semaphore, #tpu.memory_space<semaphore_mem>>
      tpu.enqueue_indirect_dma source(%dma_start3A_476 : memref<10000x128xf32, #tpu.memory_space<hbm>>) target(%dma_start3A_470 : memref<80x128xf32, #tpu.memory_space<vmem>>) offsets(%dma_start3A_473 : memref<80xi32, #tpu.memory_space<vmem>>) semaphore(%dma_start3A_478 : memref<!tpu.dma_semaphore, #tpu.memory_space<semaphore_mem>>)
      %dma_start3A_479 = arith.constant 0 : i32
      %dma_start3A_480 = arith.constant 0 : i32
      %dma_start3A_481 = arith.constant 0 : i32
      %dma_start3A_482 = arith.constant 0 : i32
      %dma_start3A_483 = tpu.memref_slice %arg11[%dma_start3A_479, %dma_start3A_481, %dma_start3A_482] : memref<2x80x128xf32, #tpu.memory_space<vmem>> -> memref<1x80x128xf32, #tpu.memory_space<vmem>>
      %dma_start3A_484 = tpu.memref_squeeze %dma_start3A_483 : memref<1x80x128xf32, #tpu.memory_space<vmem>> -> memref<80x128xf32, #tpu.memory_space<vmem>>
      %dma_start3A_485 = arith.constant 0 : i32
      %dma_start3A_486 = tpu.memref_slice %arg3[%arg0, %add3A_463, %dma_start3A_485] : memref<2x160000x128xf32, #tpu.memory_space<hbm>> -> memref<1x80x128xf32, #tpu.memory_space<hbm>>
      %dma_start3A_487 = tpu.memref_squeeze %dma_start3A_486 : memref<1x80x128xf32, #tpu.memory_space<hbm>> -> memref<80x128xf32, #tpu.memory_space<hbm>>
      %dma_start3A_488 = tpu.memref_slice %arg14[%dma_start3A_480] : memref<2x!tpu.dma_semaphore, #tpu.memory_space<semaphore_mem>> -> memref<1x!tpu.dma_semaphore, #tpu.memory_space<semaphore_mem>>
      %dma_start3A_489 = tpu.memref_squeeze %dma_start3A_488 : memref<1x!tpu.dma_semaphore, #tpu.memory_space<semaphore_mem>> -> memref<!tpu.dma_semaphore, #tpu.memory_space<semaphore_mem>>
      %dma_start3A_490 = arith.constant 0 : i32
      %dma_start3A_491 = arith.constant 0 : i32
      %dma_start3A_492 = tpu.memref_slice %arg11[%dma_start3A_479, %dma_start3A_490, %dma_start3A_491] : memref<2x80x128xf32, #tpu.memory_space<vmem>> -> memref<1x80x128xf32, #tpu.memory_space<vmem>>
      %dma_start3A_493 = tpu.memref_squeeze %dma_start3A_492 : memref<1x80x128xf32, #tpu.memory_space<vmem>> -> memref<80x128xf32, #tpu.memory_space<vmem>>
      %dma_start3A_494 = arith.constant 0 : i32
      %dma_start3A_495 = tpu.memref_slice %arg3[%arg0, %add3A_463, %dma_start3A_494] : memref<2x160000x128xf32, #tpu.memory_space<hbm>> -> memref<1x80x128xf32, #tpu.memory_space<hbm>>
      %dma_start3A_496 = tpu.memref_squeeze %dma_start3A_495 : memref<1x80x128xf32, #tpu.memory_space<hbm>> -> memref<80x128xf32, #tpu.memory_space<hbm>>
      tpu.enqueue_dma source(%dma_start3A_496 : memref<80x128xf32, #tpu.memory_space<hbm>>) target(%dma_start3A_493 : memref<80x128xf32, #tpu.memory_space<vmem>>) target_semaphore(%dma_start3A_489 : memref<!tpu.dma_semaphore, #tpu.memory_space<semaphore_mem>>)
      %dma_wait3A_497 = arith.constant 1 : i32
      %dma_wait3A_498 = arith.constant 1 : i32
      %dma_wait3A_499 = arith.constant 1 : i32
      %dma_wait3A_500 = arith.constant 0 : i32
      %dma_wait3A_501 = arith.constant 0 : i32
      %dma_wait3A_502 = tpu.memref_slice %arg10[%dma_wait3A_498, %dma_wait3A_500, %dma_wait3A_501] : memref<2x80x128xf32, #tpu.memory_space<vmem>> -> memref<1x80x128xf32, #tpu.memory_space<vmem>>
      %dma_wait3A_503 = tpu.memref_squeeze %dma_wait3A_502 : memref<1x80x128xf32, #tpu.memory_space<vmem>> -> memref<80x128xf32, #tpu.memory_space<vmem>>
      %dma_wait3A_504 = arith.constant 0 : i32
      %dma_wait3A_505 = tpu.memref_slice %arg8[%dma_wait3A_497, %dma_wait3A_504] : memref<2x80xi32, #tpu.memory_space<vmem>> -> memref<1x80xi32, #tpu.memory_space<vmem>>
      %dma_wait3A_506 = tpu.memref_squeeze %dma_wait3A_505 : memref<1x80xi32, #tpu.memory_space<vmem>> -> memref<80xi32, #tpu.memory_space<vmem>>
      %dma_wait3A_507 = arith.constant 0 : i32
      %dma_wait3A_508 = arith.constant 0 : i32
      %dma_wait3A_509 = tpu.memref_slice %arg2[%dma_wait3A_507, %dma_wait3A_508] : memref<10000x128xf32, #tpu.memory_space<hbm>> -> memref<10000x128xf32, #tpu.memory_space<hbm>>
      %dma_wait3A_510 = tpu.memref_slice %arg13[%dma_wait3A_499] : memref<2x!tpu.dma_semaphore, #tpu.memory_space<semaphore_mem>> -> memref<1x!tpu.dma_semaphore, #tpu.memory_space<semaphore_mem>>
      %dma_wait3A_511 = tpu.memref_squeeze %dma_wait3A_510 : memref<1x!tpu.dma_semaphore, #tpu.memory_space<semaphore_mem>> -> memref<!tpu.dma_semaphore, #tpu.memory_space<semaphore_mem>>
      tpu.wait_indirect_dma semaphore(%dma_wait3A_511 : memref<!tpu.dma_semaphore, #tpu.memory_space<semaphore_mem>>) src(%dma_wait3A_509 : memref<10000x128xf32, #tpu.memory_space<hbm>>) dst(%dma_wait3A_503 : memref<80x128xf32, #tpu.memory_space<vmem>>)
      %dma_wait3A_512 = arith.constant 1 : i32
      %dma_wait3A_513 = arith.constant 1 : i32
      %dma_wait3A_514 = arith.constant 0 : i32
      %dma_wait3A_515 = arith.constant 0 : i32
      %dma_wait3A_516 = tpu.memref_slice %arg11[%dma_wait3A_512, %dma_wait3A_514, %dma_wait3A_515] : memref<2x80x128xf32, #tpu.memory_space<vmem>> -> memref<1x80x128xf32, #tpu.memory_space<vmem>>
      %dma_wait3A_517 = tpu.memref_squeeze %dma_wait3A_516 : memref<1x80x128xf32, #tpu.memory_space<vmem>> -> memref<80x128xf32, #tpu.memory_space<vmem>>
      %dma_wait3A_518 = arith.constant 0 : i32
      %dma_wait3A_519 = arith.constant 0 : i32
      %dma_wait3A_520 = tpu.memref_slice %arg3[%arg0, %dma_wait3A_518, %dma_wait3A_519] : memref<2x160000x128xf32, #tpu.memory_space<hbm>> -> memref<1x80x128xf32, #tpu.memory_space<hbm>>
      %dma_wait3A_521 = tpu.memref_squeeze %dma_wait3A_520 : memref<1x80x128xf32, #tpu.memory_space<hbm>> -> memref<80x128xf32, #tpu.memory_space<hbm>>
      %dma_wait3A_522 = tpu.memref_slice %arg14[%dma_wait3A_513] : memref<2x!tpu.dma_semaphore, #tpu.memory_space<semaphore_mem>> -> memref<1x!tpu.dma_semaphore, #tpu.memory_space<semaphore_mem>>
      %dma_wait3A_523 = tpu.memref_squeeze %dma_wait3A_522 : memref<1x!tpu.dma_semaphore, #tpu.memory_space<semaphore_mem>> -> memref<!tpu.dma_semaphore, #tpu.memory_space<semaphore_mem>>
      %dma_wait3A_524 = arith.constant 0 : i32
      %dma_wait3A_525 = arith.constant 0 : i32
      %dma_wait3A_526 = tpu.memref_slice %arg11[%dma_wait3A_512, %dma_wait3A_524, %dma_wait3A_525] : memref<2x80x128xf32, #tpu.memory_space<vmem>> -> memref<1x80x128xf32, #tpu.memory_space<vmem>>
      %dma_wait3A_527 = tpu.memref_squeeze %dma_wait3A_526 : memref<1x80x128xf32, #tpu.memory_space<vmem>> -> memref<80x128xf32, #tpu.memory_space<vmem>>
      %dma_wait3A_528 = arith.constant 0 : i32
      %dma_wait3A_529 = arith.constant 0 : i32
      %dma_wait3A_530 = tpu.memref_slice %arg3[%arg0, %dma_wait3A_528, %dma_wait3A_529] : memref<2x160000x128xf32, #tpu.memory_space<hbm>> -> memref<1x80x128xf32, #tpu.memory_space<hbm>>
      %dma_wait3A_531 = tpu.memref_squeeze %dma_wait3A_530 : memref<1x80x128xf32, #tpu.memory_space<hbm>> -> memref<80x128xf32, #tpu.memory_space<hbm>>
      tpu.wait_dma2 semaphore(%dma_wait3A_523 : memref<!tpu.dma_semaphore, #tpu.memory_space<semaphore_mem>>) src(%dma_wait3A_531 : memref<80x128xf32, #tpu.memory_space<hbm>>) dst(%dma_wait3A_527 : memref<80x128xf32, #tpu.memory_space<vmem>>)
      %scan3A_532 = arith.constant 0 : i32
      %scan3A_533 = arith.constant 0 : i32
      %scan3A_534 = arith.constant 80 : i32
      %scan3A_535 = arith.addi %scan3A_533, %scan3A_534 : i32
      %scan3A_536 = arith.constant 1 : i32
      scf.for %scan3A_547 = %scan3A_533 to %scan3A_535 step %scan3A_536  : i32 {
        %get3A = arith.constant 1 : i32
        %get3A_548 = arith.index_cast %get3A : i32 to index
        %get3A_549 = arith.index_cast %scan3A_547 : i32 to index
        %get3A_550 = arith.constant 0 : index
        %get3A_551 = tpu.vector_load %arg10[%get3A_548, %get3A_549, %get3A_550] {strides = array<i32>} : memref<2x80x128xf32, #tpu.memory_space<vmem>>, vector<1x1x16xf32>,
        %get3A_552 = vector.shape_cast %get3A_551 : vector<1x1x16xf32> to vector<16xf32>
        %get3A_553 = arith.constant 1 : i32
        %get3A_554 = arith.index_cast %get3A_553 : i32 to index
        %get3A_555 = arith.index_cast %scan3A_547 : i32 to index
        %get3A_556 = arith.constant 16 : index
        %get3A_557 = tpu.vector_load %arg10[%get3A_554, %get3A_555, %get3A_556] {strides = array<i32>} : memref<2x80x128xf32, #tpu.memory_space<vmem>>, vector<1x1x16xf32>,
        %get3A_558 = vector.shape_cast %get3A_557 : vector<1x1x16xf32> to vector<16xf32>
        %get3A_559 = arith.constant 1 : i32
        %get3A_560 = arith.index_cast %get3A_559 : i32 to index
        %get3A_561 = arith.index_cast %scan3A_547 : i32 to index
        %get3A_562 = arith.constant 32 : index
        %get3A_563 = tpu.vector_load %arg10[%get3A_560, %get3A_561, %get3A_562] {strides = array<i32>} : memref<2x80x128xf32, #tpu.memory_space<vmem>>, vector<1x1x16xf32>,
        %get3A_564 = vector.shape_cast %get3A_563 : vector<1x1x16xf32> to vector<16xf32>
        %get3A_565 = arith.constant 1 : i32
        %get3A_566 = arith.index_cast %get3A_565 : i32 to index
        %get3A_567 = arith.index_cast %scan3A_547 : i32 to index
        %get3A_568 = arith.constant 48 : index
        %get3A_569 = tpu.vector_load %arg10[%get3A_566, %get3A_567, %get3A_568] {strides = array<i32>} : memref<2x80x128xf32, #tpu.memory_space<vmem>>, vector<1x1x16xf32>,
        %get3A_570 = vector.shape_cast %get3A_569 : vector<1x1x16xf32> to vector<16xf32>
        %get3A_571 = arith.constant 1 : i32
        %get3A_572 = arith.index_cast %get3A_571 : i32 to index
        %get3A_573 = arith.index_cast %scan3A_547 : i32 to index
        %get3A_574 = arith.constant 0 : index
        %get3A_575 = tpu.vector_load %arg11[%get3A_572, %get3A_573, %get3A_574] {strides = array<i32>} : memref<2x80x128xf32, #tpu.memory_space<vmem>>, vector<1x1x16xf32>,
        %get3A_576 = vector.shape_cast %get3A_575 : vector<1x1x16xf32> to vector<16xf32>
        %mul3A_577 = arith.mulf %get3A_552, %get3A_576 : vector<16xf32>
        %swap3A = arith.constant 1 : i32
        %swap3A_578 = arith.index_cast %swap3A : i32 to index
        %swap3A_579 = arith.index_cast %scan3A_547 : i32 to index
        %swap3A_580 = arith.constant 0 : index
        %swap3A_581 = tpu.vector_load %arg11[%swap3A_578, %swap3A_579, %swap3A_580] {strides = array<i32>} : memref<2x80x128xf32, #tpu.memory_space<vmem>>, vector<1x1x16xf32>,
        %swap3A_582 = vector.shape_cast %swap3A_581 : vector<1x1x16xf32> to vector<16xf32>
        %swap3A_583 = vector.shape_cast %mul3A_577 : vector<16xf32> to vector<1x1x16xf32>
        tpu.vector_store %arg11[%swap3A_578, %swap3A_579, %swap3A_580], %swap3A_583 {strides = array<i32>} : memref<2x80x128xf32, #tpu.memory_space<vmem>>, vector<1x1x16xf32>,
        %get3A_584 = arith.constant 1 : i32
        %get3A_585 = arith.index_cast %get3A_584 : i32 to index
        %get3A_586 = arith.index_cast %scan3A_547 : i32 to index
        %get3A_587 = arith.constant 16 : index
        %get3A_588 = tpu.vector_load %arg11[%get3A_585, %get3A_586, %get3A_587] {strides = array<i32>} : memref<2x80x128xf32, #tpu.memory_space<vmem>>, vector<1x1x16xf32>,
        %get3A_589 = vector.shape_cast %get3A_588 : vector<1x1x16xf32> to vector<16xf32>
        %mul3A_590 = arith.mulf %get3A_558, %get3A_589 : vector<16xf32>
        %swap3A_591 = arith.constant 1 : i32
        %swap3A_592 = arith.index_cast %swap3A_591 : i32 to index
        %swap3A_593 = arith.index_cast %scan3A_547 : i32 to index
        %swap3A_594 = arith.constant 16 : index
        %swap3A_595 = tpu.vector_load %arg11[%swap3A_592, %swap3A_593, %swap3A_594] {strides = array<i32>} : memref<2x80x128xf32, #tpu.memory_space<vmem>>, vector<1x1x16xf32>,
        %swap3A_596 = vector.shape_cast %swap3A_595 : vector<1x1x16xf32> to vector<16xf32>
        %swap3A_597 = vector.shape_cast %mul3A_590 : vector<16xf32> to vector<1x1x16xf32>
        tpu.vector_store %arg11[%swap3A_592, %swap3A_593, %swap3A_594], %swap3A_597 {strides = array<i32>} : memref<2x80x128xf32, #tpu.memory_space<vmem>>, vector<1x1x16xf32>,
        %get3A_598 = arith.constant 1 : i32
        %get3A_599 = arith.index_cast %get3A_598 : i32 to index
        %get3A_600 = arith.index_cast %scan3A_547 : i32 to index
        %get3A_601 = arith.constant 32 : index
        %get3A_602 = tpu.vector_load %arg11[%get3A_599, %get3A_600, %get3A_601] {strides = array<i32>} : memref<2x80x128xf32, #tpu.memory_space<vmem>>, vector<1x1x16xf32>,
        %get3A_603 = vector.shape_cast %get3A_602 : vector<1x1x16xf32> to vector<16xf32>
        %mul3A_604 = arith.mulf %get3A_564, %get3A_603 : vector<16xf32>
        %swap3A_605 = arith.constant 1 : i32
        %swap3A_606 = arith.index_cast %swap3A_605 : i32 to index
        %swap3A_607 = arith.index_cast %scan3A_547 : i32 to index
        %swap3A_608 = arith.constant 32 : index
        %swap3A_609 = tpu.vector_load %arg11[%swap3A_606, %swap3A_607, %swap3A_608] {strides = array<i32>} : memref<2x80x128xf32, #tpu.memory_space<vmem>>, vector<1x1x16xf32>,
        %swap3A_610 = vector.shape_cast %swap3A_609 : vector<1x1x16xf32> to vector<16xf32>
        %swap3A_611 = vector.shape_cast %mul3A_604 : vector<16xf32> to vector<1x1x16xf32>
        tpu.vector_store %arg11[%swap3A_606, %swap3A_607, %swap3A_608], %swap3A_611 {strides = array<i32>} : memref<2x80x128xf32, #tpu.memory_space<vmem>>, vector<1x1x16xf32>,
        %get3A_612 = arith.constant 1 : i32
        %get3A_613 = arith.index_cast %get3A_612 : i32 to index
        %get3A_614 = arith.index_cast %scan3A_547 : i32 to index
        %get3A_615 = arith.constant 48 : index
        %get3A_616 = tpu.vector_load %arg11[%get3A_613, %get3A_614, %get3A_615] {strides = array<i32>} : memref<2x80x128xf32, #tpu.memory_space<vmem>>, vector<1x1x16xf32>,
        %get3A_617 = vector.shape_cast %get3A_616 : vector<1x1x16xf32> to vector<16xf32>
        %mul3A_618 = arith.mulf %get3A_570, %get3A_617 : vector<16xf32>
        %swap3A_619 = arith.constant 1 : i32
        %swap3A_620 = arith.index_cast %swap3A_619 : i32 to index
        %swap3A_621 = arith.index_cast %scan3A_547 : i32 to index
        %swap3A_622 = arith.constant 48 : index
        %swap3A_623 = tpu.vector_load %arg11[%swap3A_620, %swap3A_621, %swap3A_622] {strides = array<i32>} : memref<2x80x128xf32, #tpu.memory_space<vmem>>, vector<1x1x16xf32>,
        %swap3A_624 = vector.shape_cast %swap3A_623 : vector<1x1x16xf32> to vector<16xf32>
        %swap3A_625 = vector.shape_cast %mul3A_618 : vector<16xf32> to vector<1x1x16xf32>
        tpu.vector_store %arg11[%swap3A_620, %swap3A_621, %swap3A_622], %swap3A_625 {strides = array<i32>} : memref<2x80x128xf32, #tpu.memory_space<vmem>>, vector<1x1x16xf32>,
        %get3A_626 = arith.constant 1 : i32
        %get3A_627 = arith.index_cast %get3A_626 : i32 to index
        %get3A_628 = arith.index_cast %scan3A_547 : i32 to index
        %get3A_629 = arith.constant 64 : index
        %get3A_630 = tpu.vector_load %arg11[%get3A_627, %get3A_628, %get3A_629] {strides = array<i32>} : memref<2x80x128xf32, #tpu.memory_space<vmem>>, vector<1x1x16xf32>,
        %get3A_631 = vector.shape_cast %get3A_630 : vector<1x1x16xf32> to vector<16xf32>
        %mul3A_632 = arith.mulf %get3A_552, %get3A_631 : vector<16xf32>
        %swap3A_633 = arith.constant 1 : i32
        %swap3A_634 = arith.index_cast %swap3A_633 : i32 to index
        %swap3A_635 = arith.index_cast %scan3A_547 : i32 to index
        %swap3A_636 = arith.constant 64 : index
        %swap3A_637 = tpu.vector_load %arg11[%swap3A_634, %swap3A_635, %swap3A_636] {strides = array<i32>} : memref<2x80x128xf32, #tpu.memory_space<vmem>>, vector<1x1x16xf32>,
        %swap3A_638 = vector.shape_cast %swap3A_637 : vector<1x1x16xf32> to vector<16xf32>
        %swap3A_639 = vector.shape_cast %mul3A_632 : vector<16xf32> to vector<1x1x16xf32>
        tpu.vector_store %arg11[%swap3A_634, %swap3A_635, %swap3A_636], %swap3A_639 {strides = array<i32>} : memref<2x80x128xf32, #tpu.memory_space<vmem>>, vector<1x1x16xf32>,
        %get3A_640 = arith.constant 1 : i32
        %get3A_641 = arith.index_cast %get3A_640 : i32 to index
        %get3A_642 = arith.index_cast %scan3A_547 : i32 to index
        %get3A_643 = arith.constant 80 : index
        %get3A_644 = tpu.vector_load %arg11[%get3A_641, %get3A_642, %get3A_643] {strides = array<i32>} : memref<2x80x128xf32, #tpu.memory_space<vmem>>, vector<1x1x16xf32>,
        %get3A_645 = vector.shape_cast %get3A_644 : vector<1x1x16xf32> to vector<16xf32>
        %mul3A_646 = arith.mulf %get3A_558, %get3A_645 : vector<16xf32>
        %swap3A_647 = arith.constant 1 : i32
        %swap3A_648 = arith.index_cast %swap3A_647 : i32 to index
        %swap3A_649 = arith.index_cast %scan3A_547 : i32 to index
        %swap3A_650 = arith.constant 80 : index
        %swap3A_651 = tpu.vector_load %arg11[%swap3A_648, %swap3A_649, %swap3A_650] {strides = array<i32>} : memref<2x80x128xf32, #tpu.memory_space<vmem>>, vector<1x1x16xf32>,
        %swap3A_652 = vector.shape_cast %swap3A_651 : vector<1x1x16xf32> to vector<16xf32>
        %swap3A_653 = vector.shape_cast %mul3A_646 : vector<16xf32> to vector<1x1x16xf32>
        tpu.vector_store %arg11[%swap3A_648, %swap3A_649, %swap3A_650], %swap3A_653 {strides = array<i32>} : memref<2x80x128xf32, #tpu.memory_space<vmem>>, vector<1x1x16xf32>,
        %get3A_654 = arith.constant 1 : i32
        %get3A_655 = arith.index_cast %get3A_654 : i32 to index
        %get3A_656 = arith.index_cast %scan3A_547 : i32 to index
        %get3A_657 = arith.constant 96 : index
        %get3A_658 = tpu.vector_load %arg11[%get3A_655, %get3A_656, %get3A_657] {strides = array<i32>} : memref<2x80x128xf32, #tpu.memory_space<vmem>>, vector<1x1x16xf32>,
        %get3A_659 = vector.shape_cast %get3A_658 : vector<1x1x16xf32> to vector<16xf32>
        %mul3A_660 = arith.mulf %get3A_564, %get3A_659 : vector<16xf32>
        %swap3A_661 = arith.constant 1 : i32
        %swap3A_662 = arith.index_cast %swap3A_661 : i32 to index
        %swap3A_663 = arith.index_cast %scan3A_547 : i32 to index
        %swap3A_664 = arith.constant 96 : index
        %swap3A_665 = tpu.vector_load %arg11[%swap3A_662, %swap3A_663, %swap3A_664] {strides = array<i32>} : memref<2x80x128xf32, #tpu.memory_space<vmem>>, vector<1x1x16xf32>,
        %swap3A_666 = vector.shape_cast %swap3A_665 : vector<1x1x16xf32> to vector<16xf32>
        %swap3A_667 = vector.shape_cast %mul3A_660 : vector<16xf32> to vector<1x1x16xf32>
        tpu.vector_store %arg11[%swap3A_662, %swap3A_663, %swap3A_664], %swap3A_667 {strides = array<i32>} : memref<2x80x128xf32, #tpu.memory_space<vmem>>, vector<1x1x16xf32>,
        %get3A_668 = arith.constant 1 : i32
        %get3A_669 = arith.index_cast %get3A_668 : i32 to index
        %get3A_670 = arith.index_cast %scan3A_547 : i32 to index
        %get3A_671 = arith.constant 112 : index
        %get3A_672 = tpu.vector_load %arg11[%get3A_669, %get3A_670, %get3A_671] {strides = array<i32>} : memref<2x80x128xf32, #tpu.memory_space<vmem>>, vector<1x1x16xf32>,
        %get3A_673 = vector.shape_cast %get3A_672 : vector<1x1x16xf32> to vector<16xf32>
        %mul3A_674 = arith.mulf %get3A_570, %get3A_673 : vector<16xf32>
        %swap3A_675 = arith.constant 1 : i32
        %swap3A_676 = arith.index_cast %swap3A_675 : i32 to index
        %swap3A_677 = arith.index_cast %scan3A_547 : i32 to index
        %swap3A_678 = arith.constant 112 : index
        %swap3A_679 = tpu.vector_load %arg11[%swap3A_676, %swap3A_677, %swap3A_678] {strides = array<i32>} : memref<2x80x128xf32, #tpu.memory_space<vmem>>, vector<1x1x16xf32>,
        %swap3A_680 = vector.shape_cast %swap3A_679 : vector<1x1x16xf32> to vector<16xf32>
        %swap3A_681 = vector.shape_cast %mul3A_674 : vector<16xf32> to vector<1x1x16xf32>
        tpu.vector_store %arg11[%swap3A_676, %swap3A_677, %swap3A_678], %swap3A_681 {strides = array<i32>} : memref<2x80x128xf32, #tpu.memory_space<vmem>>, vector<1x1x16xf32>,
      }
      %scan3A_537 = arith.constant 80 : i32
      %run_scoped3A_538 = arith.constant 1 : i32
      %run_scoped3A_539 = arith.constant 1 : i32
      "tpu.region"() ({
        %run_scoped3A_547 = tpu.sem_alloc : memref<!tpu.dma_semaphore, #tpu.memory_space<semaphore_mem>>
        %dma_start3A_548 = arith.constant 0 : i32
        %dma_start3A_549 = arith.constant 0 : i32
        %dma_start3A_550 = tpu.memref_slice %arg11[%run_scoped3A_538, %dma_start3A_548, %dma_start3A_549] : memref<2x80x128xf32, #tpu.memory_space<vmem>> -> memref<1x80x128xf32, #tpu.memory_space<vmem>>
        %dma_start3A_551 = tpu.memref_squeeze %dma_start3A_550 : memref<1x80x128xf32, #tpu.memory_space<vmem>> -> memref<80x128xf32, #tpu.memory_space<vmem>>
        %dma_start3A_552 = arith.constant 0 : i32
        %dma_start3A_553 = tpu.memref_slice %arg9[%run_scoped3A_539, %dma_start3A_552] : memref<2x80xi32, #tpu.memory_space<vmem>> -> memref<1x80xi32, #tpu.memory_space<vmem>>
        %dma_start3A_554 = tpu.memref_squeeze %dma_start3A_553 : memref<1x80xi32, #tpu.memory_space<vmem>> -> memref<80xi32, #tpu.memory_space<vmem>>
        %dma_start3A_555 = arith.constant 0 : i32
        %dma_start3A_556 = arith.constant 0 : i32
        %dma_start3A_557 = tpu.memref_slice %arg7[%dma_start3A_555, %dma_start3A_556] : memref<10000x128xf32, #tpu.memory_space<vmem_shared>> -> memref<10000x128xf32, #tpu.memory_space<vmem_shared>>
        tpu.enqueue_indirect_dma source(%dma_start3A_551 : memref<80x128xf32, #tpu.memory_space<vmem>>) target(%dma_start3A_557 : memref<10000x128xf32, #tpu.memory_space<vmem_shared>>) offsets(%dma_start3A_554 : memref<80xi32, #tpu.memory_space<vmem>>) semaphore(%run_scoped3A_547 : memref<!tpu.dma_semaphore, #tpu.memory_space<semaphore_mem>>) {add = true}
        %dma_wait3A_558 = arith.constant 0 : i32
        %dma_wait3A_559 = arith.constant 0 : i32
        %dma_wait3A_560 = tpu.memref_slice %arg11[%run_scoped3A_538, %dma_wait3A_558, %dma_wait3A_559] : memref<2x80x128xf32, #tpu.memory_space<vmem>> -> memref<1x80x128xf32, #tpu.memory_space<vmem>>
        %dma_wait3A_561 = tpu.memref_squeeze %dma_wait3A_560 : memref<1x80x128xf32, #tpu.memory_space<vmem>> -> memref<80x128xf32, #tpu.memory_space<vmem>>
        %dma_wait3A_562 = arith.constant 0 : i32
        %dma_wait3A_563 = tpu.memref_slice %arg9[%run_scoped3A_539, %dma_wait3A_562] : memref<2x80xi32, #tpu.memory_space<vmem>> -> memref<1x80xi32, #tpu.memory_space<vmem>>
        %dma_wait3A_564 = tpu.memref_squeeze %dma_wait3A_563 : memref<1x80xi32, #tpu.memory_space<vmem>> -> memref<80xi32, #tpu.memory_space<vmem>>
        %dma_wait3A_565 = arith.constant 0 : i32
        %dma_wait3A_566 = arith.constant 0 : i32
        %dma_wait3A_567 = tpu.memref_slice %arg7[%dma_wait3A_565, %dma_wait3A_566] : memref<10000x128xf32, #tpu.memory_space<vmem_shared>> -> memref<10000x128xf32, #tpu.memory_space<vmem_shared>>
        tpu.wait_indirect_dma semaphore(%run_scoped3A_547 : memref<!tpu.dma_semaphore, #tpu.memory_space<semaphore_mem>>) src(%dma_wait3A_561 : memref<80x128xf32, #tpu.memory_space<vmem>>) dst(%dma_wait3A_567 : memref<10000x128xf32, #tpu.memory_space<vmem_shared>>)
        tpu.yield
      }) : () -> ()
      %add3A_540 = arith.constant 2 : i32
      %add3A_541 = arith.addi %add3A_430, %add3A_540 : i32
      %lt3A_542 = arith.constant 125 : i32
      %lt3A_543 = arith.cmpi slt, %add3A_541, %lt3A_542 : i32
      %convert_element_type3A_544 = arith.extui %lt3A_543 : i1 to i32
      %cond3A_545 = arith.constant 0 : i32
      %cond3A_546 = arith.cmpi ne, %convert_element_type3A_544, %cond3A_545 : i32
      scf.if %cond3A_546 {
        %add3A_547 = arith.constant 2 : i32
        %add3A_548 = arith.addi %add3A_430, %add3A_547 : i32
        %mul3A_549 = arith.constant 80 : i32
        %mul3A_550 = arith.muli %add3A_548, %mul3A_549 : i32
        %add3A_551 = arith.addi %mul3A_0, %mul3A_550 : i32
        %dma_start3A_552 = arith.constant 1 : i32
        %dma_start3A_553 = arith.constant 1 : i32
        %dma_start3A_554 = arith.constant 0 : i32
        %dma_start3A_555 = tpu.memref_slice %arg8[%dma_start3A_552, %dma_start3A_554] : memref<2x80xi32, #tpu.memory_space<vmem>> -> memref<1x80xi32, #tpu.memory_space<vmem>>
        %dma_start3A_556 = tpu.memref_squeeze %dma_start3A_555 : memref<1x80xi32, #tpu.memory_space<vmem>> -> memref<80xi32, #tpu.memory_space<vmem>>
        %dma_start3A_557 = tpu.memref_slice %arg4[%add3A_551] : memref<160000xi32, #tpu.memory_space<hbm>> -> memref<80xi32, #tpu.memory_space<hbm>>
        %dma_start3A_558 = tpu.memref_slice %arg15[%dma_start3A_553] : memref<2x!tpu.dma_semaphore, #tpu.memory_space<semaphore_mem>> -> memref<1x!tpu.dma_semaphore, #tpu.memory_space<semaphore_mem>>
        %dma_start3A_559 = tpu.memref_squeeze %dma_start3A_558 : memref<1x!tpu.dma_semaphore, #tpu.memory_space<semaphore_mem>> -> memref<!tpu.dma_semaphore, #tpu.memory_space<semaphore_mem>>
        %dma_start3A_560 = arith.constant 0 : i32
        %dma_start3A_561 = tpu.memref_slice %arg8[%dma_start3A_552, %dma_start3A_560] : memref<2x80xi32, #tpu.memory_space<vmem>> -> memref<1x80xi32, #tpu.memory_space<vmem>>
        %dma_start3A_562 = tpu.memref_squeeze %dma_start3A_561 : memref<1x80xi32, #tpu.memory_space<vmem>> -> memref<80xi32, #tpu.memory_space<vmem>>
        %dma_start3A_563 = tpu.memref_slice %arg4[%add3A_551] : memref<160000xi32, #tpu.memory_space<hbm>> -> memref<80xi32, #tpu.memory_space<hbm>>
        tpu.enqueue_dma source(%dma_start3A_563 : memref<80xi32, #tpu.memory_space<hbm>>) target(%dma_start3A_562 : memref<80xi32, #tpu.memory_space<vmem>>) target_semaphore(%dma_start3A_559 : memref<!tpu.dma_semaphore, #tpu.memory_space<semaphore_mem>>)
        %dma_start3A_564 = arith.constant 1 : i32
        %dma_start3A_565 = arith.constant 1 : i32
        %dma_start3A_566 = arith.constant 0 : i32
        %dma_start3A_567 = tpu.memref_slice %arg9[%dma_start3A_564, %dma_start3A_566] : memref<2x80xi32, #tpu.memory_space<vmem>> -> memref<1x80xi32, #tpu.memory_space<vmem>>
        %dma_start3A_568 = tpu.memref_squeeze %dma_start3A_567 : memref<1x80xi32, #tpu.memory_space<vmem>> -> memref<80xi32, #tpu.memory_space<vmem>>
        %dma_start3A_569 = tpu.memref_slice %arg5[%add3A_551] : memref<160000xi32, #tpu.memory_space<hbm>> -> memref<80xi32, #tpu.memory_space<hbm>>
        %dma_start3A_570 = tpu.memref_slice %arg15[%dma_start3A_565] : memref<2x!tpu.dma_semaphore, #tpu.memory_space<semaphore_mem>> -> memref<1x!tpu.dma_semaphore, #tpu.memory_space<semaphore_mem>>
        %dma_start3A_571 = tpu.memref_squeeze %dma_start3A_570 : memref<1x!tpu.dma_semaphore, #tpu.memory_space<semaphore_mem>> -> memref<!tpu.dma_semaphore, #tpu.memory_space<semaphore_mem>>
        %dma_start3A_572 = arith.constant 0 : i32
        %dma_start3A_573 = tpu.memref_slice %arg9[%dma_start3A_564, %dma_start3A_572] : memref<2x80xi32, #tpu.memory_space<vmem>> -> memref<1x80xi32, #tpu.memory_space<vmem>>
        %dma_start3A_574 = tpu.memref_squeeze %dma_start3A_573 : memref<1x80xi32, #tpu.memory_space<vmem>> -> memref<80xi32, #tpu.memory_space<vmem>>
        %dma_start3A_575 = tpu.memref_slice %arg5[%add3A_551] : memref<160000xi32, #tpu.memory_space<hbm>> -> memref<80xi32, #tpu.memory_space<hbm>>
        tpu.enqueue_dma source(%dma_start3A_575 : memref<80xi32, #tpu.memory_space<hbm>>) target(%dma_start3A_574 : memref<80xi32, #tpu.memory_space<vmem>>) target_semaphore(%dma_start3A_571 : memref<!tpu.dma_semaphore, #tpu.memory_space<semaphore_mem>>)
      } else {
      }
    }
    %scan3A_255 = arith.constant 62 : i32
    %dma_wait3A_256 = arith.constant 0 : i32
    %dma_wait3A_257 = arith.constant 0 : i32
    %dma_wait3A_258 = arith.constant 0 : i32
    %dma_wait3A_259 = arith.constant 0 : i32
    %dma_wait3A_260 = arith.constant 0 : i32
    %dma_wait3A_261 = tpu.memref_slice %arg10[%dma_wait3A_257, %dma_wait3A_259, %dma_wait3A_260] : memref<2x80x128xf32, #tpu.memory_space<vmem>> -> memref<1x80x128xf32, #tpu.memory_space<vmem>>
    %dma_wait3A_262 = tpu.memref_squeeze %dma_wait3A_261 : memref<1x80x128xf32, #tpu.memory_space<vmem>> -> memref<80x128xf32, #tpu.memory_space<vmem>>
    %dma_wait3A_263 = arith.constant 0 : i32
    %dma_wait3A_264 = tpu.memref_slice %arg8[%dma_wait3A_256, %dma_wait3A_263] : memref<2x80xi32, #tpu.memory_space<vmem>> -> memref<1x80xi32, #tpu.memory_space<vmem>>
    %dma_wait3A_265 = tpu.memref_squeeze %dma_wait3A_264 : memref<1x80xi32, #tpu.memory_space<vmem>> -> memref<80xi32, #tpu.memory_space<vmem>>
    %dma_wait3A_266 = arith.constant 0 : i32
    %dma_wait3A_267 = arith.constant 0 : i32
    %dma_wait3A_268 = tpu.memref_slice %arg2[%dma_wait3A_266, %dma_wait3A_267] : memref<10000x128xf32, #tpu.memory_space<hbm>> -> memref<10000x128xf32, #tpu.memory_space<hbm>>
    %dma_wait3A_269 = tpu.memref_slice %arg13[%dma_wait3A_258] : memref<2x!tpu.dma_semaphore, #tpu.memory_space<semaphore_mem>> -> memref<1x!tpu.dma_semaphore, #tpu.memory_space<semaphore_mem>>
    %dma_wait3A_270 = tpu.memref_squeeze %dma_wait3A_269 : memref<1x!tpu.dma_semaphore, #tpu.memory_space<semaphore_mem>> -> memref<!tpu.dma_semaphore, #tpu.memory_space<semaphore_mem>>
    tpu.wait_indirect_dma semaphore(%dma_wait3A_270 : memref<!tpu.dma_semaphore, #tpu.memory_space<semaphore_mem>>) src(%dma_wait3A_268 : memref<10000x128xf32, #tpu.memory_space<hbm>>) dst(%dma_wait3A_262 : memref<80x128xf32, #tpu.memory_space<vmem>>)
    %dma_wait3A_271 = arith.constant 0 : i32
    %dma_wait3A_272 = arith.constant 0 : i32
    %dma_wait3A_273 = arith.constant 0 : i32
    %dma_wait3A_274 = arith.constant 0 : i32
    %dma_wait3A_275 = tpu.memref_slice %arg11[%dma_wait3A_271, %dma_wait3A_273, %dma_wait3A_274] : memref<2x80x128xf32, #tpu.memory_space<vmem>> -> memref<1x80x128xf32, #tpu.memory_space<vmem>>
    %dma_wait3A_276 = tpu.memref_squeeze %dma_wait3A_275 : memref<1x80x128xf32, #tpu.memory_space<vmem>> -> memref<80x128xf32, #tpu.memory_space<vmem>>
    %dma_wait3A_277 = arith.constant 0 : i32
    %dma_wait3A_278 = arith.constant 0 : i32
    %dma_wait3A_279 = tpu.memref_slice %arg3[%arg0, %dma_wait3A_277, %dma_wait3A_278] : memref<2x160000x128xf32, #tpu.memory_space<hbm>> -> memref<1x80x128xf32, #tpu.memory_space<hbm>>
    %dma_wait3A_280 = tpu.memref_squeeze %dma_wait3A_279 : memref<1x80x128xf32, #tpu.memory_space<hbm>> -> memref<80x128xf32, #tpu.memory_space<hbm>>
    %dma_wait3A_281 = tpu.memref_slice %arg14[%dma_wait3A_272] : memref<2x!tpu.dma_semaphore, #tpu.memory_space<semaphore_mem>> -> memref<1x!tpu.dma_semaphore, #tpu.memory_space<semaphore_mem>>
    %dma_wait3A_282 = tpu.memref_squeeze %dma_wait3A_281 : memref<1x!tpu.dma_semaphore, #tpu.memory_space<semaphore_mem>> -> memref<!tpu.dma_semaphore, #tpu.memory_space<semaphore_mem>>
    %dma_wait3A_283 = arith.constant 0 : i32
    %dma_wait3A_284 = arith.constant 0 : i32
    %dma_wait3A_285 = tpu.memref_slice %arg11[%dma_wait3A_271, %dma_wait3A_283, %dma_wait3A_284] : memref<2x80x128xf32, #tpu.memory_space<vmem>> -> memref<1x80x128xf32, #tpu.memory_space<vmem>>
    %dma_wait3A_286 = tpu.memref_squeeze %dma_wait3A_285 : memref<1x80x128xf32, #tpu.memory_space<vmem>> -> memref<80x128xf32, #tpu.memory_space<vmem>>
    %dma_wait3A_287 = arith.constant 0 : i32
    %dma_wait3A_288 = arith.constant 0 : i32
    %dma_wait3A_289 = tpu.memref_slice %arg3[%arg0, %dma_wait3A_287, %dma_wait3A_288] : memref<2x160000x128xf32, #tpu.memory_space<hbm>> -> memref<1x80x128xf32, #tpu.memory_space<hbm>>
    %dma_wait3A_290 = tpu.memref_squeeze %dma_wait3A_289 : memref<1x80x128xf32, #tpu.memory_space<hbm>> -> memref<80x128xf32, #tpu.memory_space<hbm>>
    tpu.wait_dma2 semaphore(%dma_wait3A_282 : memref<!tpu.dma_semaphore, #tpu.memory_space<semaphore_mem>>) src(%dma_wait3A_290 : memref<80x128xf32, #tpu.memory_space<hbm>>) dst(%dma_wait3A_286 : memref<80x128xf32, #tpu.memory_space<vmem>>)
    %scan3A_291 = arith.constant 0 : i32
    %scan3A_292 = arith.constant 0 : i32
    %scan3A_293 = arith.constant 80 : i32
    %scan3A_294 = arith.addi %scan3A_292, %scan3A_293 : i32
    %scan3A_295 = arith.constant 1 : i32
    scf.for %scan3A_309 = %scan3A_292 to %scan3A_294 step %scan3A_295  : i32 {
      %get3A = arith.constant 0 : i32
      %get3A_310 = arith.index_cast %get3A : i32 to index
      %get3A_311 = arith.index_cast %scan3A_309 : i32 to index
      %get3A_312 = arith.constant 0 : index
      %get3A_313 = tpu.vector_load %arg10[%get3A_310, %get3A_311, %get3A_312] {strides = array<i32>} : memref<2x80x128xf32, #tpu.memory_space<vmem>>, vector<1x1x16xf32>,
      %get3A_314 = vector.shape_cast %get3A_313 : vector<1x1x16xf32> to vector<16xf32>
      %get3A_315 = arith.constant 0 : i32
      %get3A_316 = arith.index_cast %get3A_315 : i32 to index
      %get3A_317 = arith.index_cast %scan3A_309 : i32 to index
      %get3A_318 = arith.constant 16 : index
      %get3A_319 = tpu.vector_load %arg10[%get3A_316, %get3A_317, %get3A_318] {strides = array<i32>} : memref<2x80x128xf32, #tpu.memory_space<vmem>>, vector<1x1x16xf32>,
      %get3A_320 = vector.shape_cast %get3A_319 : vector<1x1x16xf32> to vector<16xf32>
      %get3A_321 = arith.constant 0 : i32
      %get3A_322 = arith.index_cast %get3A_321 : i32 to index
      %get3A_323 = arith.index_cast %scan3A_309 : i32 to index
      %get3A_324 = arith.constant 32 : index
      %get3A_325 = tpu.vector_load %arg10[%get3A_322, %get3A_323, %get3A_324] {strides = array<i32>} : memref<2x80x128xf32, #tpu.memory_space<vmem>>, vector<1x1x16xf32>,
      %get3A_326 = vector.shape_cast %get3A_325 : vector<1x1x16xf32> to vector<16xf32>
      %get3A_327 = arith.constant 0 : i32
      %get3A_328 = arith.index_cast %get3A_327 : i32 to index
      %get3A_329 = arith.index_cast %scan3A_309 : i32 to index
      %get3A_330 = arith.constant 48 : index
      %get3A_331 = tpu.vector_load %arg10[%get3A_328, %get3A_329, %get3A_330] {strides = array<i32>} : memref<2x80x128xf32, #tpu.memory_space<vmem>>, vector<1x1x16xf32>,
      %get3A_332 = vector.shape_cast %get3A_331 : vector<1x1x16xf32> to vector<16xf32>
      %get3A_333 = arith.constant 0 : i32
      %get3A_334 = arith.index_cast %get3A_333 : i32 to index
      %get3A_335 = arith.index_cast %scan3A_309 : i32 to index
      %get3A_336 = arith.constant 0 : index
      %get3A_337 = tpu.vector_load %arg11[%get3A_334, %get3A_335, %get3A_336] {strides = array<i32>} : memref<2x80x128xf32, #tpu.memory_space<vmem>>, vector<1x1x16xf32>,
      %get3A_338 = vector.shape_cast %get3A_337 : vector<1x1x16xf32> to vector<16xf32>
      %mul3A_339 = arith.mulf %get3A_314, %get3A_338 : vector<16xf32>
      %swap3A = arith.constant 0 : i32
      %swap3A_340 = arith.index_cast %swap3A : i32 to index
      %swap3A_341 = arith.index_cast %scan3A_309 : i32 to index
      %swap3A_342 = arith.constant 0 : index
      %swap3A_343 = tpu.vector_load %arg11[%swap3A_340, %swap3A_341, %swap3A_342] {strides = array<i32>} : memref<2x80x128xf32, #tpu.memory_space<vmem>>, vector<1x1x16xf32>,
      %swap3A_344 = vector.shape_cast %swap3A_343 : vector<1x1x16xf32> to vector<16xf32>
      %swap3A_345 = vector.shape_cast %mul3A_339 : vector<16xf32> to vector<1x1x16xf32>
      tpu.vector_store %arg11[%swap3A_340, %swap3A_341, %swap3A_342], %swap3A_345 {strides = array<i32>} : memref<2x80x128xf32, #tpu.memory_space<vmem>>, vector<1x1x16xf32>,
      %get3A_346 = arith.constant 0 : i32
      %get3A_347 = arith.index_cast %get3A_346 : i32 to index
      %get3A_348 = arith.index_cast %scan3A_309 : i32 to index
      %get3A_349 = arith.constant 16 : index
      %get3A_350 = tpu.vector_load %arg11[%get3A_347, %get3A_348, %get3A_349] {strides = array<i32>} : memref<2x80x128xf32, #tpu.memory_space<vmem>>, vector<1x1x16xf32>,
      %get3A_351 = vector.shape_cast %get3A_350 : vector<1x1x16xf32> to vector<16xf32>
      %mul3A_352 = arith.mulf %get3A_320, %get3A_351 : vector<16xf32>
      %swap3A_353 = arith.constant 0 : i32
      %swap3A_354 = arith.index_cast %swap3A_353 : i32 to index
      %swap3A_355 = arith.index_cast %scan3A_309 : i32 to index
      %swap3A_356 = arith.constant 16 : index
      %swap3A_357 = tpu.vector_load %arg11[%swap3A_354, %swap3A_355, %swap3A_356] {strides = array<i32>} : memref<2x80x128xf32, #tpu.memory_space<vmem>>, vector<1x1x16xf32>,
      %swap3A_358 = vector.shape_cast %swap3A_357 : vector<1x1x16xf32> to vector<16xf32>
      %swap3A_359 = vector.shape_cast %mul3A_352 : vector<16xf32> to vector<1x1x16xf32>
      tpu.vector_store %arg11[%swap3A_354, %swap3A_355, %swap3A_356], %swap3A_359 {strides = array<i32>} : memref<2x80x128xf32, #tpu.memory_space<vmem>>, vector<1x1x16xf32>,
      %get3A_360 = arith.constant 0 : i32
      %get3A_361 = arith.index_cast %get3A_360 : i32 to index
      %get3A_362 = arith.index_cast %scan3A_309 : i32 to index
      %get3A_363 = arith.constant 32 : index
      %get3A_364 = tpu.vector_load %arg11[%get3A_361, %get3A_362, %get3A_363] {strides = array<i32>} : memref<2x80x128xf32, #tpu.memory_space<vmem>>, vector<1x1x16xf32>,
      %get3A_365 = vector.shape_cast %get3A_364 : vector<1x1x16xf32> to vector<16xf32>
      %mul3A_366 = arith.mulf %get3A_326, %get3A_365 : vector<16xf32>
      %swap3A_367 = arith.constant 0 : i32
      %swap3A_368 = arith.index_cast %swap3A_367 : i32 to index
      %swap3A_369 = arith.index_cast %scan3A_309 : i32 to index
      %swap3A_370 = arith.constant 32 : index
      %swap3A_371 = tpu.vector_load %arg11[%swap3A_368, %swap3A_369, %swap3A_370] {strides = array<i32>} : memref<2x80x128xf32, #tpu.memory_space<vmem>>, vector<1x1x16xf32>,
      %swap3A_372 = vector.shape_cast %swap3A_371 : vector<1x1x16xf32> to vector<16xf32>
      %swap3A_373 = vector.shape_cast %mul3A_366 : vector<16xf32> to vector<1x1x16xf32>
      tpu.vector_store %arg11[%swap3A_368, %swap3A_369, %swap3A_370], %swap3A_373 {strides = array<i32>} : memref<2x80x128xf32, #tpu.memory_space<vmem>>, vector<1x1x16xf32>,
      %get3A_374 = arith.constant 0 : i32
      %get3A_375 = arith.index_cast %get3A_374 : i32 to index
      %get3A_376 = arith.index_cast %scan3A_309 : i32 to index
      %get3A_377 = arith.constant 48 : index
      %get3A_378 = tpu.vector_load %arg11[%get3A_375, %get3A_376, %get3A_377] {strides = array<i32>} : memref<2x80x128xf32, #tpu.memory_space<vmem>>, vector<1x1x16xf32>,
      %get3A_379 = vector.shape_cast %get3A_378 : vector<1x1x16xf32> to vector<16xf32>
      %mul3A_380 = arith.mulf %get3A_332, %get3A_379 : vector<16xf32>
      %swap3A_381 = arith.constant 0 : i32
      %swap3A_382 = arith.index_cast %swap3A_381 : i32 to index
      %swap3A_383 = arith.index_cast %scan3A_309 : i32 to index
      %swap3A_384 = arith.constant 48 : index
      %swap3A_385 = tpu.vector_load %arg11[%swap3A_382, %swap3A_383, %swap3A_384] {strides = array<i32>} : memref<2x80x128xf32, #tpu.memory_space<vmem>>, vector<1x1x16xf32>,
      %swap3A_386 = vector.shape_cast %swap3A_385 : vector<1x1x16xf32> to vector<16xf32>
      %swap3A_387 = vector.shape_cast %mul3A_380 : vector<16xf32> to vector<1x1x16xf32>
      tpu.vector_store %arg11[%swap3A_382, %swap3A_383, %swap3A_384], %swap3A_387 {strides = array<i32>} : memref<2x80x128xf32, #tpu.memory_space<vmem>>, vector<1x1x16xf32>,
      %get3A_388 = arith.constant 0 : i32
      %get3A_389 = arith.index_cast %get3A_388 : i32 to index
      %get3A_390 = arith.index_cast %scan3A_309 : i32 to index
      %get3A_391 = arith.constant 64 : index
      %get3A_392 = tpu.vector_load %arg11[%get3A_389, %get3A_390, %get3A_391] {strides = array<i32>} : memref<2x80x128xf32, #tpu.memory_space<vmem>>, vector<1x1x16xf32>,
      %get3A_393 = vector.shape_cast %get3A_392 : vector<1x1x16xf32> to vector<16xf32>
      %mul3A_394 = arith.mulf %get3A_314, %get3A_393 : vector<16xf32>
      %swap3A_395 = arith.constant 0 : i32
      %swap3A_396 = arith.index_cast %swap3A_395 : i32 to index
      %swap3A_397 = arith.index_cast %scan3A_309 : i32 to index
      %swap3A_398 = arith.constant 64 : index
      %swap3A_399 = tpu.vector_load %arg11[%swap3A_396, %swap3A_397, %swap3A_398] {strides = array<i32>} : memref<2x80x128xf32, #tpu.memory_space<vmem>>, vector<1x1x16xf32>,
      %swap3A_400 = vector.shape_cast %swap3A_399 : vector<1x1x16xf32> to vector<16xf32>
      %swap3A_401 = vector.shape_cast %mul3A_394 : vector<16xf32> to vector<1x1x16xf32>
      tpu.vector_store %arg11[%swap3A_396, %swap3A_397, %swap3A_398], %swap3A_401 {strides = array<i32>} : memref<2x80x128xf32, #tpu.memory_space<vmem>>, vector<1x1x16xf32>,
      %get3A_402 = arith.constant 0 : i32
      %get3A_403 = arith.index_cast %get3A_402 : i32 to index
      %get3A_404 = arith.index_cast %scan3A_309 : i32 to index
      %get3A_405 = arith.constant 80 : index
      %get3A_406 = tpu.vector_load %arg11[%get3A_403, %get3A_404, %get3A_405] {strides = array<i32>} : memref<2x80x128xf32, #tpu.memory_space<vmem>>, vector<1x1x16xf32>,
      %get3A_407 = vector.shape_cast %get3A_406 : vector<1x1x16xf32> to vector<16xf32>
      %mul3A_408 = arith.mulf %get3A_320, %get3A_407 : vector<16xf32>
      %swap3A_409 = arith.constant 0 : i32
      %swap3A_410 = arith.index_cast %swap3A_409 : i32 to index
      %swap3A_411 = arith.index_cast %scan3A_309 : i32 to index
      %swap3A_412 = arith.constant 80 : index
      %swap3A_413 = tpu.vector_load %arg11[%swap3A_410, %swap3A_411, %swap3A_412] {strides = array<i32>} : memref<2x80x128xf32, #tpu.memory_space<vmem>>, vector<1x1x16xf32>,
      %swap3A_414 = vector.shape_cast %swap3A_413 : vector<1x1x16xf32> to vector<16xf32>
      %swap3A_415 = vector.shape_cast %mul3A_408 : vector<16xf32> to vector<1x1x16xf32>
      tpu.vector_store %arg11[%swap3A_410, %swap3A_411, %swap3A_412], %swap3A_415 {strides = array<i32>} : memref<2x80x128xf32, #tpu.memory_space<vmem>>, vector<1x1x16xf32>,
      %get3A_416 = arith.constant 0 : i32
      %get3A_417 = arith.index_cast %get3A_416 : i32 to index
      %get3A_418 = arith.index_cast %scan3A_309 : i32 to index
      %get3A_419 = arith.constant 96 : index
      %get3A_420 = tpu.vector_load %arg11[%get3A_417, %get3A_418, %get3A_419] {strides = array<i32>} : memref<2x80x128xf32, #tpu.memory_space<vmem>>, vector<1x1x16xf32>,
      %get3A_421 = vector.shape_cast %get3A_420 : vector<1x1x16xf32> to vector<16xf32>
      %mul3A_422 = arith.mulf %get3A_326, %get3A_421 : vector<16xf32>
      %swap3A_423 = arith.constant 0 : i32
      %swap3A_424 = arith.index_cast %swap3A_423 : i32 to index
      %swap3A_425 = arith.index_cast %scan3A_309 : i32 to index
      %swap3A_426 = arith.constant 96 : index
      %swap3A_427 = tpu.vector_load %arg11[%swap3A_424, %swap3A_425, %swap3A_426] {strides = array<i32>} : memref<2x80x128xf32, #tpu.memory_space<vmem>>, vector<1x1x16xf32>,
      %swap3A_428 = vector.shape_cast %swap3A_427 : vector<1x1x16xf32> to vector<16xf32>
      %swap3A_429 = vector.shape_cast %mul3A_422 : vector<16xf32> to vector<1x1x16xf32>
      tpu.vector_store %arg11[%swap3A_424, %swap3A_425, %swap3A_426], %swap3A_429 {strides = array<i32>} : memref<2x80x128xf32, #tpu.memory_space<vmem>>, vector<1x1x16xf32>,
      %get3A_430 = arith.constant 0 : i32
      %get3A_431 = arith.index_cast %get3A_430 : i32 to index
      %get3A_432 = arith.index_cast %scan3A_309 : i32 to index
      %get3A_433 = arith.constant 112 : index
      %get3A_434 = tpu.vector_load %arg11[%get3A_431, %get3A_432, %get3A_433] {strides = array<i32>} : memref<2x80x128xf32, #tpu.memory_space<vmem>>, vector<1x1x16xf32>,
      %get3A_435 = vector.shape_cast %get3A_434 : vector<1x1x16xf32> to vector<16xf32>
      %mul3A_436 = arith.mulf %get3A_332, %get3A_435 : vector<16xf32>
      %swap3A_437 = arith.constant 0 : i32
      %swap3A_438 = arith.index_cast %swap3A_437 : i32 to index
      %swap3A_439 = arith.index_cast %scan3A_309 : i32 to index
      %swap3A_440 = arith.constant 112 : index
      %swap3A_441 = tpu.vector_load %arg11[%swap3A_438, %swap3A_439, %swap3A_440] {strides = array<i32>} : memref<2x80x128xf32, #tpu.memory_space<vmem>>, vector<1x1x16xf32>,
      %swap3A_442 = vector.shape_cast %swap3A_441 : vector<1x1x16xf32> to vector<16xf32>
      %swap3A_443 = vector.shape_cast %mul3A_436 : vector<16xf32> to vector<1x1x16xf32>
      tpu.vector_store %arg11[%swap3A_438, %swap3A_439, %swap3A_440], %swap3A_443 {strides = array<i32>} : memref<2x80x128xf32, #tpu.memory_space<vmem>>, vector<1x1x16xf32>,
    }
    %scan3A_296 = arith.constant 80 : i32
    %run_scoped3A_297 = arith.constant 0 : i32
    %run_scoped3A_298 = arith.constant 0 : i32
    "tpu.region"() ({
      %run_scoped3A_309 = tpu.sem_alloc : memref<!tpu.dma_semaphore, #tpu.memory_space<semaphore_mem>>
      %dma_start3A_310 = arith.constant 0 : i32
      %dma_start3A_311 = arith.constant 0 : i32
      %dma_start3A_312 = tpu.memref_slice %arg11[%run_scoped3A_297, %dma_start3A_310, %dma_start3A_311] : memref<2x80x128xf32, #tpu.memory_space<vmem>> -> memref<1x80x128xf32, #tpu.memory_space<vmem>>
      %dma_start3A_313 = tpu.memref_squeeze %dma_start3A_312 : memref<1x80x128xf32, #tpu.memory_space<vmem>> -> memref<80x128xf32, #tpu.memory_space<vmem>>
      %dma_start3A_314 = arith.constant 0 : i32
      %dma_start3A_315 = tpu.memref_slice %arg9[%run_scoped3A_298, %dma_start3A_314] : memref<2x80xi32, #tpu.memory_space<vmem>> -> memref<1x80xi32, #tpu.memory_space<vmem>>
      %dma_start3A_316 = tpu.memref_squeeze %dma_start3A_315 : memref<1x80xi32, #tpu.memory_space<vmem>> -> memref<80xi32, #tpu.memory_space<vmem>>
      %dma_start3A_317 = arith.constant 0 : i32
      %dma_start3A_318 = arith.constant 0 : i32
      %dma_start3A_319 = tpu.memref_slice %arg7[%dma_start3A_317, %dma_start3A_318] : memref<10000x128xf32, #tpu.memory_space<vmem_shared>> -> memref<10000x128xf32, #tpu.memory_space<vmem_shared>>
      tpu.enqueue_indirect_dma source(%dma_start3A_313 : memref<80x128xf32, #tpu.memory_space<vmem>>) target(%dma_start3A_319 : memref<10000x128xf32, #tpu.memory_space<vmem_shared>>) offsets(%dma_start3A_316 : memref<80xi32, #tpu.memory_space<vmem>>) semaphore(%run_scoped3A_309 : memref<!tpu.dma_semaphore, #tpu.memory_space<semaphore_mem>>) {add = true}
      %dma_wait3A_320 = arith.constant 0 : i32
      %dma_wait3A_321 = arith.constant 0 : i32
      %dma_wait3A_322 = tpu.memref_slice %arg11[%run_scoped3A_297, %dma_wait3A_320, %dma_wait3A_321] : memref<2x80x128xf32, #tpu.memory_space<vmem>> -> memref<1x80x128xf32, #tpu.memory_space<vmem>>
      %dma_wait3A_323 = tpu.memref_squeeze %dma_wait3A_322 : memref<1x80x128xf32, #tpu.memory_space<vmem>> -> memref<80x128xf32, #tpu.memory_space<vmem>>
      %dma_wait3A_324 = arith.constant 0 : i32
      %dma_wait3A_325 = tpu.memref_slice %arg9[%run_scoped3A_298, %dma_wait3A_324] : memref<2x80xi32, #tpu.memory_space<vmem>> -> memref<1x80xi32, #tpu.memory_space<vmem>>
      %dma_wait3A_326 = tpu.memref_squeeze %dma_wait3A_325 : memref<1x80xi32, #tpu.memory_space<vmem>> -> memref<80xi32, #tpu.memory_space<vmem>>
      %dma_wait3A_327 = arith.constant 0 : i32
      %dma_wait3A_328 = arith.constant 0 : i32
      %dma_wait3A_329 = tpu.memref_slice %arg7[%dma_wait3A_327, %dma_wait3A_328] : memref<10000x128xf32, #tpu.memory_space<vmem_shared>> -> memref<10000x128xf32, #tpu.memory_space<vmem_shared>>
      tpu.wait_indirect_dma semaphore(%run_scoped3A_309 : memref<!tpu.dma_semaphore, #tpu.memory_space<semaphore_mem>>) src(%dma_wait3A_323 : memref<80x128xf32, #tpu.memory_space<vmem>>) dst(%dma_wait3A_329 : memref<10000x128xf32, #tpu.memory_space<vmem_shared>>)
      tpu.yield
    }) : () -> ()
    %barrier3A_299 = arith.constant 0 : index
    tpu.barrier barrier_id(%barrier3A_299)
    %mul3A_300 = arith.constant 624 : i32
    %mul3A_301 = arith.muli %arg1, %mul3A_300 : i32
    %mul3A_302 = arith.constant 624 : i32
    %mul3A_303 = arith.muli %arg1, %mul3A_302 : i32
    "tpu.region"() ({
      %run_scoped3A_309 = tpu.sem_alloc : memref<!tpu.dma_semaphore, #tpu.memory_space<semaphore_mem>>
      %dma_start3A_310 = arith.constant 0 : i32
      %dma_start3A_311 = tpu.memref_slice %arg6[%arg0, %mul3A_303, %dma_start3A_310] : memref<2x10000x128xf32, #tpu.memory_space<hbm>> -> memref<1x624x128xf32, #tpu.memory_space<hbm>>
      %dma_start3A_312 = tpu.memref_squeeze %dma_start3A_311 : memref<1x624x128xf32, #tpu.memory_space<hbm>> -> memref<624x128xf32, #tpu.memory_space<hbm>>
      %dma_start3A_313 = arith.constant 0 : i32
      %dma_start3A_314 = tpu.memref_slice %arg7[%mul3A_301, %dma_start3A_313] : memref<10000x128xf32, #tpu.memory_space<vmem_shared>> -> memref<624x128xf32, #tpu.memory_space<vmem_shared>>
      tpu.enqueue_dma source(%dma_start3A_314 : memref<624x128xf32, #tpu.memory_space<vmem_shared>>) target(%dma_start3A_312 : memref<624x128xf32, #tpu.memory_space<hbm>>) target_semaphore(%run_scoped3A_309 : memref<!tpu.dma_semaphore, #tpu.memory_space<semaphore_mem>>)
      %dma_wait3A_315 = arith.constant 0 : i32
      %dma_wait3A_316 = tpu.memref_slice %arg6[%arg0, %mul3A_303, %dma_wait3A_315] : memref<2x10000x128xf32, #tpu.memory_space<hbm>> -> memref<1x624x128xf32, #tpu.memory_space<hbm>>
      %dma_wait3A_317 = tpu.memref_squeeze %dma_wait3A_316 : memref<1x624x128xf32, #tpu.memory_space<hbm>> -> memref<624x128xf32, #tpu.memory_space<hbm>>
      %dma_wait3A_318 = arith.constant 0 : i32
      %dma_wait3A_319 = tpu.memref_slice %arg7[%mul3A_301, %dma_wait3A_318] : memref<10000x128xf32, #tpu.memory_space<vmem_shared>> -> memref<624x128xf32, #tpu.memory_space<vmem_shared>>
      tpu.wait_dma2 semaphore(%run_scoped3A_309 : memref<!tpu.dma_semaphore, #tpu.memory_space<semaphore_mem>>) src(%dma_wait3A_319 : memref<624x128xf32, #tpu.memory_space<vmem_shared>>) dst(%dma_wait3A_317 : memref<624x128xf32, #tpu.memory_space<hbm>>)
      tpu.yield
    }) : () -> ()
    %eq3A_304 = arith.constant 0 : i32
    %eq3A_305 = arith.cmpi eq, %arg1, %eq3A_304 : i32
    %convert_element_type3A_306 = arith.extui %eq3A_305 : i1 to i32
    %cond3A_307 = arith.constant 0 : i32
    %cond3A_308 = arith.cmpi ne, %convert_element_type3A_306, %cond3A_307 : i32
    scf.if %cond3A_308 {
      "tpu.region"() ({
        %run_scoped3A_309 = tpu.sem_alloc : memref<!tpu.dma_semaphore, #tpu.memory_space<semaphore_mem>>
        %dma_start3A_310 = arith.constant 9984 : i32
        %dma_start3A_311 = arith.constant 0 : i32
        %dma_start3A_312 = tpu.memref_slice %arg6[%arg0, %dma_start3A_310, %dma_start3A_311] : memref<2x10000x128xf32, #tpu.memory_space<hbm>> -> memref<1x16x128xf32, #tpu.memory_space<hbm>>
        %dma_start3A_313 = tpu.memref_squeeze %dma_start3A_312 : memref<1x16x128xf32, #tpu.memory_space<hbm>> -> memref<16x128xf32, #tpu.memory_space<hbm>>
        %dma_start3A_314 = arith.constant 9984 : i32
        %dma_start3A_315 = arith.constant 0 : i32
        %dma_start3A_316 = tpu.memref_slice %arg7[%dma_start3A_314, %dma_start3A_315] : memref<10000x128xf32, #tpu.memory_space<vmem_shared>> -> memref<16x128xf32, #tpu.memory_space<vmem_shared>>
        tpu.enqueue_dma source(%dma_start3A_316 : memref<16x128xf32, #tpu.memory_space<vmem_shared>>) target(%dma_start3A_313 : memref<16x128xf32, #tpu.memory_space<hbm>>) target_semaphore(%run_scoped3A_309 : memref<!tpu.dma_semaphore, #tpu.memory_space<semaphore_mem>>)
        %dma_wait3A_317 = arith.constant 9984 : i32
        %dma_wait3A_318 = arith.constant 0 : i32
        %dma_wait3A_319 = tpu.memref_slice %arg6[%arg0, %dma_wait3A_317, %dma_wait3A_318] : memref<2x10000x128xf32, #tpu.memory_space<hbm>> -> memref<1x16x128xf32, #tpu.memory_space<hbm>>
        %dma_wait3A_320 = tpu.memref_squeeze %dma_wait3A_319 : memref<1x16x128xf32, #tpu.memory_space<hbm>> -> memref<16x128xf32, #tpu.memory_space<hbm>>
        %dma_wait3A_321 = arith.constant 9984 : i32
        %dma_wait3A_322 = arith.constant 0 : i32
        %dma_wait3A_323 = tpu.memref_slice %arg7[%dma_wait3A_321, %dma_wait3A_322] : memref<10000x128xf32, #tpu.memory_space<vmem_shared>> -> memref<16x128xf32, #tpu.memory_space<vmem_shared>>
        tpu.wait_dma2 semaphore(%run_scoped3A_309 : memref<!tpu.dma_semaphore, #tpu.memory_space<semaphore_mem>>) src(%dma_wait3A_323 : memref<16x128xf32, #tpu.memory_space<vmem_shared>>) dst(%dma_wait3A_320 : memref<16x128xf32, #tpu.memory_space<hbm>>)
        tpu.yield
      }) : () -> ()
    } else {
    }
    return
  }
}

module attributes {stable_mosaic.version = 14 : i64} {
  func.func @_x_body(%arg0: memref<10000x64xf32, #tpu.memory_space<vmem>>, %arg1: memref<64x64xf32, #tpu.memory_space<vmem>>, %arg2: memref<10000x128xf32, #tpu.memory_space<vmem>>) attributes {dimension_semantics = [], scalar_prefetch = 0 : i64, scratch_operands = 0 : i64, tpu.core_type = #tpu.core_type<tc>} {
    %get3A = arith.constant 0 : index
    %get3A_0 = arith.constant 0 : index
    %get3A_1 = vector.load %arg0[%get3A, %get3A_0] : memref<10000x64xf32, #tpu.memory_space<vmem>>, vector<10000x64xf32>
    %get3A_2 = arith.constant 0 : index
    %get3A_3 = arith.constant 0 : index
    %get3A_4 = vector.load %arg1[%get3A_2, %get3A_3] : memref<64x64xf32, #tpu.memory_space<vmem>>, vector<64x64xf32>
    %dot_general3A = arith.constant dense<0.000000e+00> : vector<10000x64xf32>
    %dot_general3A_5 = tpu.matmul %get3A_1, %get3A_4, %dot_general3A {dimension_numbers = #tpu.dot_dimension_numbers<[1], [0], [0], [1], [0, 0, 1, 1], [], []>, transpose_lhs_hint = false} : vector<10000x64xf32>, vector<64x64xf32>, vector<10000x64xf32> -> vector<10000x64xf32>
    %broadcast_in_dim3A = arith.constant 0.000000e+00 : f32
    %broadcast_in_dim3A_6 = vector.broadcast %broadcast_in_dim3A : f32 to vector<10000x64xf32>
    %concatenate3A = tpu.concatenate %dot_general3A_5, %broadcast_in_dim3A_6 in 1 : vector<10000x64xf32>, vector<10000x64xf32> -> vector<10000x128xf32>
    %swap3A = arith.constant 0 : index
    %swap3A_7 = arith.constant 0 : index
    %swap3A_8 = vector.load %arg2[%swap3A, %swap3A_7] : memref<10000x128xf32, #tpu.memory_space<vmem>>, vector<10000x128xf32>
    tpu.vector_store %arg2[%swap3A, %swap3A_7], %concatenate3A {strides = array<i32>} : memref<10000x128xf32, #tpu.memory_space<vmem>>, vector<10000x128xf32>,
    return
  }
}

module attributes {stable_mosaic.version = 14 : i64} {
  func.func @_m_body(%arg0: i32, %arg1: memref<2000x4xf32, #tpu.memory_space<vmem>>, %arg2: memref<1x64xf32, #tpu.memory_space<vmem>>, %arg3: memref<64x64xf32, #tpu.memory_space<vmem>>, %arg4: memref<64x128xf32, #tpu.memory_space<vmem>>, %arg5: memref<64x128xf32, #tpu.memory_space<vmem>>, %arg6: memref<2x2000x128xf32, #tpu.memory_space<vmem>>) attributes {dimension_semantics = [#tpu.dimension_semantics<arbitrary>], iteration_bounds = array<i64: 80>, scalar_prefetch = 0 : i64, scratch_operands = 0 : i64, tpu.core_type = #tpu.core_type<tc>, window_params = [{transform_indices = @transform_0, window_bounds = array<i64: 2000, 4>}, {pipeline_mode = #tpu.pipeline_mode<synchronous>, transform_indices = @transform_1, window_bounds = array<i64: 1, 64>}, {pipeline_mode = #tpu.pipeline_mode<synchronous>, transform_indices = @transform_2, window_bounds = array<i64: 64, 64>}, {pipeline_mode = #tpu.pipeline_mode<synchronous>, transform_indices = @transform_3, window_bounds = array<i64: 64, 128>}, {pipeline_mode = #tpu.pipeline_mode<synchronous>, transform_indices = @transform_4, window_bounds = array<i64: 64, 128>}, {transform_indices = @transform_5, window_bounds = array<i64: 2, 2000, 128>}]} {
    %get3A = arith.constant 0 : index
    %get3A_0 = arith.constant 0 : index
    %get3A_1 = vector.load %arg1[%get3A, %get3A_0] : memref<2000x4xf32, #tpu.memory_space<vmem>>, vector<2000x4xf32>
    %slice3A = vector.extract_strided_slice %get3A_1 {offsets = [0, 0], sizes = [2000, 1], strides = [1, 1]} : vector<2000x4xf32> to vector<2000x1xf32>
    %get3A_2 = arith.constant 0 : index
    %get3A_3 = arith.constant 0 : index
    %get3A_4 = vector.load %arg2[%get3A_2, %get3A_3] : memref<1x64xf32, #tpu.memory_space<vmem>>, vector<1x64xf32>
    %mul3A = vector.broadcast %slice3A : vector<2000x1xf32> to vector<2000x64xf32>
    %mul3A_5 = vector.broadcast %get3A_4 : vector<1x64xf32> to vector<2000x64xf32>
    %mul3A_6 = arith.mulf %mul3A, %mul3A_5 : vector<2000x64xf32>
    %logistic3A = arith.negf %mul3A_6 : vector<2000x64xf32>
    %logistic3A_7 = math.exp %logistic3A : vector<2000x64xf32>
    %logistic3A_8 = arith.constant 1.000000e+00 : f32
    %logistic3A_9 = vector.broadcast %logistic3A_8 : f32 to vector<2000x64xf32>
    %logistic3A_10 = arith.addf %logistic3A_9, %logistic3A_7 : vector<2000x64xf32>
    %logistic3A_11 = arith.divf %logistic3A_9, %logistic3A_10 : vector<2000x64xf32>
    %mul3A_12 = arith.mulf %mul3A_6, %logistic3A_11 : vector<2000x64xf32>
    %get3A_13 = arith.constant 0 : index
    %get3A_14 = arith.constant 0 : index
    %get3A_15 = vector.load %arg3[%get3A_13, %get3A_14] : memref<64x64xf32, #tpu.memory_space<vmem>>, vector<64x64xf32>
    %dot_general3A = arith.constant dense<0.000000e+00> : vector<2000x64xf32>
    %dot_general3A_16 = tpu.matmul %mul3A_12, %get3A_15, %dot_general3A {dimension_numbers = #tpu.dot_dimension_numbers<[1], [0], [0], [1], [0, 0, 1, 1], [], []>, transpose_lhs_hint = false} : vector<2000x64xf32>, vector<64x64xf32>, vector<2000x64xf32> -> vector<2000x64xf32>
    %logistic3A_17 = arith.negf %dot_general3A_16 : vector<2000x64xf32>
    %logistic3A_18 = math.exp %logistic3A_17 : vector<2000x64xf32>
    %logistic3A_19 = arith.constant 1.000000e+00 : f32
    %logistic3A_20 = vector.broadcast %logistic3A_19 : f32 to vector<2000x64xf32>
    %logistic3A_21 = arith.addf %logistic3A_20, %logistic3A_18 : vector<2000x64xf32>
    %logistic3A_22 = arith.divf %logistic3A_20, %logistic3A_21 : vector<2000x64xf32>
    %mul3A_23 = arith.mulf %dot_general3A_16, %logistic3A_22 : vector<2000x64xf32>
    %get3A_24 = arith.constant 0 : index
    %get3A_25 = arith.constant 0 : index
    %get3A_26 = vector.load %arg4[%get3A_24, %get3A_25] : memref<64x128xf32, #tpu.memory_space<vmem>>, vector<64x128xf32>
    %dot_general3A_27 = arith.constant dense<0.000000e+00> : vector<2000x128xf32>
    %dot_general3A_28 = tpu.matmul %mul3A_23, %get3A_26, %dot_general3A_27 {dimension_numbers = #tpu.dot_dimension_numbers<[1], [0], [0], [1], [0, 0, 1, 1], [], []>, transpose_lhs_hint = false} : vector<2000x64xf32>, vector<64x128xf32>, vector<2000x128xf32> -> vector<2000x128xf32>
    %get3A_29 = arith.constant 0 : index
    %get3A_30 = arith.constant 0 : index
    %get3A_31 = vector.load %arg5[%get3A_29, %get3A_30] : memref<64x128xf32, #tpu.memory_space<vmem>>, vector<64x128xf32>
    %dot_general3A_32 = arith.constant dense<0.000000e+00> : vector<2000x128xf32>
    %dot_general3A_33 = tpu.matmul %mul3A_23, %get3A_31, %dot_general3A_32 {dimension_numbers = #tpu.dot_dimension_numbers<[1], [0], [0], [1], [0, 0, 1, 1], [], []>, transpose_lhs_hint = false} : vector<2000x64xf32>, vector<64x128xf32>, vector<2000x128xf32> -> vector<2000x128xf32>
    %iota3A = tpu.iota {dimensions = array<i32: 1>} : vector<2000x128xi32>
    %lt3A = arith.constant 64 : i32
    %lt3A_34 = vector.broadcast %lt3A : i32 to vector<2000x128xi32>
    %lt3A_35 = arith.cmpi slt, %iota3A, %lt3A_34 : vector<2000x128xi32>
    %broadcast_in_dim3A = arith.constant 1.000000e+00 : f32
    %broadcast_in_dim3A_36 = vector.broadcast %broadcast_in_dim3A : f32 to vector<2000x128xf32>
    %slice3A_37 = vector.extract_strided_slice %get3A_1 {offsets = [0, 1], sizes = [2000, 1], strides = [1, 1]} : vector<2000x4xf32> to vector<2000x1xf32>
    %broadcast_in_dim3A_38 = vector.shape_cast %slice3A_37 : vector<2000x1xf32> to vector<2000x1xf32>
    %broadcast_in_dim3A_39 = vector.broadcast %broadcast_in_dim3A_38 : vector<2000x1xf32> to vector<2000x128xf32>
    %slice3A_40 = vector.extract_strided_slice %get3A_1 {offsets = [0, 2], sizes = [2000, 1], strides = [1, 1]} : vector<2000x4xf32> to vector<2000x1xf32>
    %broadcast_in_dim3A_41 = vector.shape_cast %slice3A_40 : vector<2000x1xf32> to vector<2000x1xf32>
    %broadcast_in_dim3A_42 = vector.broadcast %broadcast_in_dim3A_41 : vector<2000x1xf32> to vector<2000x128xf32>
    %slice3A_43 = vector.extract_strided_slice %get3A_1 {offsets = [0, 3], sizes = [2000, 1], strides = [1, 1]} : vector<2000x4xf32> to vector<2000x1xf32>
    %broadcast_in_dim3A_44 = vector.shape_cast %slice3A_43 : vector<2000x1xf32> to vector<2000x1xf32>
    %broadcast_in_dim3A_45 = vector.broadcast %broadcast_in_dim3A_44 : vector<2000x1xf32> to vector<2000x128xf32>
    %select_n3A = arith.select %lt3A_35, %broadcast_in_dim3A_36, %broadcast_in_dim3A_39 : vector<2000x128xi1>, vector<2000x128xf32>
    %mul3A_46 = arith.mulf %dot_general3A_28, %select_n3A : vector<2000x128xf32>
    %select_n3A_47 = arith.select %lt3A_35, %broadcast_in_dim3A_42, %broadcast_in_dim3A_45 : vector<2000x128xi1>, vector<2000x128xf32>
    %mul3A_48 = arith.mulf %dot_general3A_33, %select_n3A_47 : vector<2000x128xf32>
    %stack3A = vector.shape_cast %mul3A_46 : vector<2000x128xf32> to vector<1x2000x128xf32>
    %stack3A_49 = vector.shape_cast %mul3A_48 : vector<2000x128xf32> to vector<1x2000x128xf32>
    %stack3A_50 = tpu.concatenate %stack3A, %stack3A_49 in 0 : vector<1x2000x128xf32>, vector<1x2000x128xf32> -> vector<2x2000x128xf32>
    %swap3A = arith.constant 0 : index
    %swap3A_51 = arith.constant 0 : index
    %swap3A_52 = arith.constant 0 : index
    %swap3A_53 = vector.load %arg6[%swap3A, %swap3A_51, %swap3A_52] : memref<2x2000x128xf32, #tpu.memory_space<vmem>>, vector<2x2000x128xf32>
    tpu.vector_store %arg6[%swap3A, %swap3A_51, %swap3A_52], %stack3A_50 {strides = array<i32>} : memref<2x2000x128xf32, #tpu.memory_space<vmem>>, vector<2x2000x128xf32>,
    return
  }
  func.func @transform_0(%arg0: i32) -> (i32, i32) {
    %c0_i32 = arith.constant 0 : i32
    %c0_i32_0 = arith.constant 0 : i32
    return %arg0, %c0_i32 : i32, i32
  }
  func.func @transform_1(%arg0: i32) -> (i32, i32) {
    %c0_i32 = arith.constant 0 : i32
    %c0_i32_0 = arith.constant 0 : i32
    %c0_i32_1 = arith.constant 0 : i32
    return %c0_i32, %c0_i32_0 : i32, i32
  }
  func.func @transform_2(%arg0: i32) -> (i32, i32) {
    %c0_i32 = arith.constant 0 : i32
    %c0_i32_0 = arith.constant 0 : i32
    %c0_i32_1 = arith.constant 0 : i32
    return %c0_i32, %c0_i32_0 : i32, i32
  }
  func.func @transform_3(%arg0: i32) -> (i32, i32) {
    %c0_i32 = arith.constant 0 : i32
    %c0_i32_0 = arith.constant 0 : i32
    %c0_i32_1 = arith.constant 0 : i32
    return %c0_i32, %c0_i32_0 : i32, i32
  }
  func.func @transform_4(%arg0: i32) -> (i32, i32) {
    %c0_i32 = arith.constant 0 : i32
    %c0_i32_0 = arith.constant 0 : i32
    %c0_i32_1 = arith.constant 0 : i32
    return %c0_i32, %c0_i32_0 : i32, i32
  }
  func.func @transform_5(%arg0: i32) -> (i32, i32, i32) {
    %c0_i32 = arith.constant 0 : i32
    %c0_i32_0 = arith.constant 0 : i32
    %c0_i32_1 = arith.constant 0 : i32
    return %c0_i32, %arg0, %c0_i32_0 : i32, i32, i32
  }
}

module attributes {stable_mosaic.version = 14 : i64} {
  func.func @_out_body(%arg0: i32, %arg1: memref<2x2000x128xf32, #tpu.memory_space<vmem>>, %arg2: memref<128x256xf32, #tpu.memory_space<vmem>>, %arg3: memref<128x256xf32, #tpu.memory_space<vmem>>, %arg4: memref<2000x256xf32, #tpu.memory_space<vmem>>) attributes {dimension_semantics = [#tpu.dimension_semantics<arbitrary>], iteration_bounds = array<i64: 5>, scalar_prefetch = 0 : i64, scratch_operands = 0 : i64, tpu.core_type = #tpu.core_type<tc>, window_params = [{transform_indices = @transform_0, window_bounds = array<i64: 2, 2000, 128>}, {pipeline_mode = #tpu.pipeline_mode<synchronous>, transform_indices = @transform_1, window_bounds = array<i64: 128, 256>}, {pipeline_mode = #tpu.pipeline_mode<synchronous>, transform_indices = @transform_2, window_bounds = array<i64: 128, 256>}, {transform_indices = @transform_3, window_bounds = array<i64: 2000, 256>}]} {
    %get3A = arith.constant 0 : index
    %get3A_0 = arith.constant 0 : index
    %get3A_1 = arith.constant 0 : index
    %get3A_2 = vector.load %arg1[%get3A, %get3A_0, %get3A_1] : memref<2x2000x128xf32, #tpu.memory_space<vmem>>, vector<1x2000x128xf32>
    %get3A_3 = vector.shape_cast %get3A_2 : vector<1x2000x128xf32> to vector<2000x128xf32>
    %get3A_4 = arith.constant 0 : index
    %get3A_5 = arith.constant 0 : index
    %get3A_6 = vector.load %arg2[%get3A_4, %get3A_5] : memref<128x256xf32, #tpu.memory_space<vmem>>, vector<128x256xf32>
    %dot_general3A = arith.constant dense<0.000000e+00> : vector<2000x256xf32>
    %dot_general3A_7 = tpu.matmul %get3A_3, %get3A_6, %dot_general3A {dimension_numbers = #tpu.dot_dimension_numbers<[1], [0], [0], [1], [0, 0, 1, 1], [], []>, transpose_lhs_hint = false} : vector<2000x128xf32>, vector<128x256xf32>, vector<2000x256xf32> -> vector<2000x256xf32>
    %get3A_8 = arith.constant 1 : index
    %get3A_9 = arith.constant 0 : index
    %get3A_10 = arith.constant 0 : index
    %get3A_11 = vector.load %arg1[%get3A_8, %get3A_9, %get3A_10] : memref<2x2000x128xf32, #tpu.memory_space<vmem>>, vector<1x2000x128xf32>
    %get3A_12 = vector.shape_cast %get3A_11 : vector<1x2000x128xf32> to vector<2000x128xf32>
    %get3A_13 = arith.constant 0 : index
    %get3A_14 = arith.constant 0 : index
    %get3A_15 = vector.load %arg3[%get3A_13, %get3A_14] : memref<128x256xf32, #tpu.memory_space<vmem>>, vector<128x256xf32>
    %dot_general3A_16 = arith.constant dense<0.000000e+00> : vector<2000x256xf32>
    %dot_general3A_17 = tpu.matmul %get3A_12, %get3A_15, %dot_general3A_16 {dimension_numbers = #tpu.dot_dimension_numbers<[1], [0], [0], [1], [0, 0, 1, 1], [], []>, transpose_lhs_hint = false} : vector<2000x128xf32>, vector<128x256xf32>, vector<2000x256xf32> -> vector<2000x256xf32>
    %add3A = arith.addf %dot_general3A_7, %dot_general3A_17 : vector<2000x256xf32>
    %swap3A = arith.constant 0 : index
    %swap3A_18 = arith.constant 0 : index
    %swap3A_19 = vector.load %arg4[%swap3A, %swap3A_18] : memref<2000x256xf32, #tpu.memory_space<vmem>>, vector<2000x256xf32>
    tpu.vector_store %arg4[%swap3A, %swap3A_18], %add3A {strides = array<i32>} : memref<2000x256xf32, #tpu.memory_space<vmem>>, vector<2000x256xf32>,
    return
  }
  func.func @transform_0(%arg0: i32) -> (i32, i32, i32) {
    %c0_i32 = arith.constant 0 : i32
    %c0_i32_0 = arith.constant 0 : i32
    %c0_i32_1 = arith.constant 0 : i32
    return %c0_i32, %arg0, %c0_i32_0 : i32, i32, i32
  }
  func.func @transform_1(%arg0: i32) -> (i32, i32) {
    %c0_i32 = arith.constant 0 : i32
    %c0_i32_0 = arith.constant 0 : i32
    %c0_i32_1 = arith.constant 0 : i32
    return %c0_i32, %c0_i32_0 : i32, i32
  }
  func.func @transform_2(%arg0: i32) -> (i32, i32) {
    %c0_i32 = arith.constant 0 : i32
    %c0_i32_0 = arith.constant 0 : i32
    %c0_i32_1 = arith.constant 0 : i32
    return %c0_i32, %c0_i32_0 : i32, i32
  }
  func.func @transform_3(%arg0: i32) -> (i32, i32) {
    %c0_i32 = arith.constant 0 : i32
    %c0_i32_0 = arith.constant 0 : i32
    return %arg0, %c0_i32 : i32, i32
  }
}

</mosaic_0001>

<sc_bundles>
// kernel: kernel.6.cloned.1.call-start
scs
__scs_entry_jumppad:
0x0: {  	(pc) =	sbr.rel $0x88, $3  }
0x1: {  	(tag) =	ssettag $0x0;
	lr =	simm.s32 $0x1  }
0x2: {  	[smem:$0x3F97] =	sst lr;
	_ =	strace $0xD0000000  }
0x3: {  	_ = 	snop  }
0x4: {  	_ = 	snop  }
0x5: {  	_ = 	snop  }
0x6: {  	_ = 	snop  }
0x7: {  	_ = 	snop  }
__scs_overlays_trampoline_lowered:
0x8: {  	[smem:$0x3FA6] =	sst s0  }
0x9: {  	[smem:$0x3FA7] =	sst s1  }
0xa: {  	[smem:$0x3FA8] =	sst s2  }
0xb: {  	[smem:$0x3FA9] =	sst s3  }
0xc: {  	[smem:$0x3FAA] =	sst s4  }
0xd: {  	[smem:$0x3FAB] =	sst s5  }
0xe: {  	[smem:$0x3FAC] =	sst s6  }
0xf: {  	[smem:$0x3FAD] =	sst s7  }
0x10: {  	[smem:$0x3FAE] =	sst s8  }
0x11: {  	[smem:$0x3FAF] =	sst s9;
	s0 =	simm.s32 @!p0 $0x0  }
0x12: {  	s1 =	sld [smem:$0x3F95];
	s0 =	simm.s32 @p0 $0x1  }
0x13: {  	[smem:$0x3FB0] =	sst s0;
	s0 =	simm.s32 @!p1 $0x0  }
0x14: {  	s2 =	sld [smem:$0x3F94];
	s0 =	simm.s32 @p1 $0x1  }
0x15: {  	[smem:$0x3FB1] =	sst s0;
	s0 =	simm.s32 @!p2 $0x0  }
0x16: {  	s3 =	sld [smem:$0x3FDB];
	s0 =	simm.s32 @p2 $0x1  }
0x17: {  	s4 =	simm.s32 $0x1BF5;
	[smem:$0x3FB3] =	sst s0  }
0x18: {  	s0 =	sld [smem:$0x3F96];
	_ =	swait.ge [sflag:s4], $0x0  }
0x19: {  	s7 =	sld [smem:$0x3F97]  }
0x1a: {  	s8 =	sadd.s32 $0xFFFFE003, lr  }
0x1b: {  	s9 =	sadd.s32 $0xFFFFFEF7, lr;
	s5 =	simm.s32 $0xFFFFFFFF;
	p2 =	slt.u32 s8, $0xFFFFF086  }
0x1c: {  	p1 =	slt.u32 s9, $0xF7A;
	s5 =	simm.s32 @!p2 $0x0  }
0x1d: {  	s5 =	simm.s32 @p1 $0x1;
	p0 =	seq.s32 s7, s2  }
0x1e: {  	s7 =	smul.u32 @!p0 $0xF7A, s2;
	p2 =	seq.s32 @!p0 s5, $0x0  }
0x1f: {  	s9 =	smul.u32 $0xF7A, s1;
	s8 =	simm.s32 @!p0 $0x1BF5;
	p2 =	por !p2, p0  }
0x20: {  	[sflag:s8] =	ssyncset.s32 @!p0 $0xFFFFF086;
	s6 =	sadd.s32 @!p0 s3, s7;
	s7 =	simm.s32 @!p0 $0x108  }
0x21: {  	s3 =	sadd.s32 s3, s9;
	s6 =	sadd.s32 @!p0 $0x88, s6;
	s7 =	simm.s32 @p2 $0x1082  }
0x22: {  	[simem:s7], [sflag:s8] =	dma.local @!p0 [hbm:s6], $0xF7A  }
0x23: {  	s9 =	sor.u32 $0xD0000000, s2;
	s6 =	simm.s32 $0x108;
	_ =	swait.ge @!p0 [sflag:s8], $0x0  }
0x24: {  	s3 =	sadd.s32 $0x88, s3;
	s6 =	simm.s32 @!p1 $0x1082;
	[sflag:s4] =	ssyncset.s32 $0xFFFFF086  }
0x25: {  	[simem:s6], [sflag:s4] =	dma.local [hbm:s3], $0xF7A  }
0x26: {  	[smem:$0x3F97] =	sst s1;
	(tag) =	ssettag s2;
	_ =	strace s9  }
0x27: {  	s1 =	sld [smem:$0x3FA7]  }
0x28: {  	s2 =	sld [smem:$0x3FA8]  }
0x29: {  	s4 =	sld [smem:$0x3FAA]  }
0x2a: {  	p0 =	seq.s32 s5, $0x0;
	s5 =	sld [smem:$0x3FAB]  }
0x2b: {  	s6 =	sld [smem:$0x3FAC]  }
0x2c: {  	s7 =	sld [smem:$0x3FAD]  }
0x2d: {  	s3 =	simm.s32 $0x108;
	s8 =	sld [smem:$0x3FAE]  }
0x2e: {  	s3 =	simm.s32 @!p0 $0x1082;
	s9 =	sld [smem:$0x3FAF]  }
0x2f: {  	lr =	sadd.s32 s0, s3;
	s0 =	sld [smem:$0x3FA6]  }
0x30: {  	s3 =	sld [smem:$0x3FA9]  }
0x31: {  	[smem:$0x3FB2] =	sst s10  }
0x32: {  	s10 =	sld [smem:$0x3FB0];
	_ =	sdelay $0x3  }
0x33: {  	p0 =	seq.s32 s10, $0x1;
	s10 =	sld [smem:$0x3FB2];
	_ =	sdelay $0x3  }
0x34: {  	[smem:$0x3FB2] =	sst s10  }
0x35: {  	s10 =	sld [smem:$0x3FB1];
	_ =	sdelay $0x3  }
0x36: {  	p1 =	seq.s32 s10, $0x1;
	s10 =	sld [smem:$0x3FB2];
	_ =	sdelay $0x3  }
0x37: {  	[smem:$0x3FB2] =	sst s10  }
0x38: {  	s10 =	sld [smem:$0x3FB3]  }
0x39: {  	_ = 	snop;
	(pc) =	sbr.ind lr, $3  }
0x3a: {  	_ = 	snop  }
0x3b: {  	_ = 	snop  }
0x3c: {  	p2 =	seq.s32 s10, $0x1;
	s10 =	sld [smem:$0x3FB2]  }
0x3d: {  	_ =	shalt  }
0x3e: {  	_ =	shalt  }
0x3f: {  	_ =	shalt  }
0x40: {  	_ =	shalt  }
0x41: {  	_ =	shalt  }
0x42: {  	_ =	shalt  }
0x43: {  	_ =	shalt  }
0x44: {  	_ =	shalt  }
0x45: {  	_ =	shalt  }
0x46: {  	_ =	shalt  }
0x47: {  	_ =	shalt  }
0x48: {  	_ =	shalt  }
0x49: {  	_ =	shalt  }
0x4a: {  	_ =	shalt  }
0x4b: {  	_ =	shalt  }
0x4c: {  	_ =	shalt  }
0x4d: {  	_ =	shalt  }
0x4e: {  	_ =	shalt  }
0x4f: {  	_ =	shalt  }
0x50: {  	_ =	shalt  }
0x51: {  	_ =	shalt  }
0x52: {  	_ =	shalt  }
0x53: {  	_ =	shalt  }
0x54: {  	_ =	shalt  }
0x55: {  	_ =	shalt  }
0x56: {  	_ =	shalt  }
0x57: {  	_ =	shalt  }
0x58: {  	_ =	shalt  }
0x59: {  	_ =	shalt  }
0x5a: {  	_ =	shalt  }
0x5b: {  	_ =	shalt  }
0x5c: {  	_ =	shalt  }
0x5d: {  	_ =	shalt  }
0x5e: {  	_ =	shalt  }
0x5f: {  	_ =	shalt  }
0x60: {  	_ =	shalt  }
0x61: {  	_ =	shalt  }
0x62: {  	_ =	shalt  }
0x63: {  	_ =	shalt  }
0x64: {  	_ =	shalt  }
0x65: {  	_ =	shalt  }
0x66: {  	_ =	shalt  }
0x67: {  	_ =	shalt  }
0x68: {  	_ =	shalt  }
0x69: {  	_ =	shalt  }
0x6a: {  	_ =	shalt  }
0x6b: {  	_ =	shalt  }
0x6c: {  	_ =	shalt  }
0x6d: {  	_ =	shalt  }
0x6e: {  	_ =	shalt  }
0x6f: {  	_ =	shalt  }
0x70: {  	_ =	shalt  }
0x71: {  	_ =	shalt  }
0x72: {  	_ =	shalt  }
0x73: {  	_ =	shalt  }
0x74: {  	_ =	shalt  }
0x75: {  	_ =	shalt  }
0x76: {  	_ =	shalt  }
0x77: {  	_ =	shalt  }
0x78: {  	_ =	shalt  }
0x79: {  	_ =	shalt  }
0x7a: {  	_ =	shalt  }
0x7b: {  	_ =	shalt  }
0x7c: {  	_ =	shalt  }
0x7d: {  	_ =	shalt  }
0x7e: {  	_ =	shalt  }
0x7f: {  	_ =	shalt  }
0x80: {  	_ =	shalt  }
0x81: {  	_ =	shalt  }
0x82: {  	_ =	shalt  }
0x83: {  	_ =	shalt  }
0x84: {  	_ =	shalt  }
0x85: {  	_ =	shalt  }
0x86: {  	_ =	shalt  }
0x87: {  	_ =	shalt  }
.Lfunc_end0:
.L_simem_size_0:
called_computation_lowered:
.L_overlay_start_0:
0x88: {  	s2 =	sld [smem:$0x3FD9]  }
0x89: {  	s3 =	sld [smem:$0x3FFE];
	_ =	sdelay $0x1  }
0x8a: {  	s1 =	srdreg.scid  }
0x8b: {  	s0 =	sand.u32 $0x1, s1  }
0x8c: {  	s17 =	sshll.u32 s0, $0xA;
	s2 =	sadd.s32 s3, s2  }
0x8d: {  	s2 =	sadd.s32 s2, s17  }
0x8e: {  	[smem:$0x3FBE] =	sst s2  }
0x8f: {  	_ = 	snop  }
0x90: {  	s2 =	sld [smem:$0x3FC8]  }
0x91: {  	s18 =	sld [smem:$0x3FC7]  }
0x92: {  	s4 =	sld [smem:$0x3FD0];
	(tm) =	ssettm $0x1  }
0x93: {  	s5 =	sld [smem:$0x3FFB];
	_ =	sdelay $0x3  }
0x94: {  	_ =	strace s5  }
0x95: {  	s5 =	sld [smem:$0x3FFC];
	_ =	sdelay $0x3  }
0x96: {  	_ =	strace s5  }
0x97: {  	s5 =	sld [smem:$0x3FFD];
	_ =	sdelay $0x3  }
0x98: {  	_ =	strace s5  }
0x99: {  	_ =	strace $0x8FFFFFFF  }
0x9a: {  	s19 =	sld [smem:$0x3FDB];
	_ =	sdelay $0x1  }
0x9b: {  	s6 =	simm.s32 $_scs_section_size  }
0x9c: {  	s7 =	simm.s32 $_size__tile_overlayer_lowered;
	s8 =	simm.s32 $_tile_overlayer_lowered  }
0x9d: {  	s22 =	simm.s32 $0x1BFF;
	s21 =	sshll.u32 s8, $0x1;
	s5 =	sadd.s32 s6, s19  }
0x9e: {  	s9 =	simm.s32 $0x0;
	s20 =	sshll.u32 s7, $0x1;
	s7 =	sadd.s32 s21, s5  }
0x9f: {  	[timem:s9], [sflag:s22] =	dma.local [hbm:s7], s20  }
0xa0: {  	_ =	swait.ge [sflag:s22], s20  }
0xa1: {  	s6 =	ssub.s32 $0x0, s20;
	[sflag:s22] =	ssyncset.done $0x0  }
0xa2: {  	[sflag:s22] =	ssyncadd.s32 s6;
	_ =	sdelay $0x1  }
0xa3: {  	s23 =	simm.s32 $0x1B8B  }
0xa4: {  	_ =	swait.ge [sflag:s23], $0x1  }
0xa5: {  	[sflag:s23] =	ssyncset.done $0x0  }
0xa6: {  	s25 =	simm.s32 $0x1B8E;
	s24 =	sld [smem:$0x3FFE];
	[sflag:s23] =	ssyncadd.s32 $0xFFFFFFFF  }
0xa7: {  	s26 =	simm.s32 $execute0_lowered;
	[smem:$0x3FD2] =	sst s25  }
0xa8: {  	s7 =	sshll.u32 s26, $0x1;
	_ =	strace $0x80000046;
	[dreg:$0x1] =	wrdreg $0xFFFFFFFF  }
0xa9: {  	s28 =	simm.s32 $_size_execute0_lowered;
	s5 =	sadd.s32 s5, s7;
	[dreg:$0x0] =	wrdreg $0x0  }
0xaa: {  	s7 =	sshll.u32 s28, $0x1;
	[dreg:$0x2] =	wrdreg s5  }
0xab: {  	[dreg:$0x3] =	wrdreg s7  }
0xac: {  	[dreg:$0x4] =	wrdreg $0xC0  }
0xad: {  	_ =	task [dreg:s9], $0x5FFFF  }
0xae: {  	[dreg:$0x1] =	wrdreg $0xFFFFFFFF  }
0xaf: {  	[dreg:$0x0] =	wrdreg $0x60  }
0xb0: {  	[dreg:$0x2] =	wrdreg s24  }
0xb1: {  	[dreg:$0x3] =	wrdreg s2  }
0xb2: {  	[dreg:$0x4] =	wrdreg s18  }
0xb3: {  	[dreg:$0x5] =	wrdreg s4  }
0xb4: {  	[dreg:$0x6] =	wrdreg $0x0  }
0xb5: {  	[dreg:$0x7] =	wrdreg $0x9  }
0xb6: {  	_ =	task.clear_ibuf [dreg:s9], $0x8FFFF;
	_ =	strace $0x90000046  }
0xb7: {  	s29 =	simm.s32 $0x9;
	_ =	strace $0x80000048  }
0xb8: {  	_ =	swait.ge [sflag:s29], $0x1  }
0xb9: {  	[sflag:s29] =	ssyncadd.s32 $0xFFFFFFFF  }
0xba: {  	_ =	strace $0x90000048  }
0xbb: {  	_ =	sfence  }
0xbc: {  	s30 =	sld [smem:$0x0];
	_ =	sdelay $0x2  }
0xbd: {  	s31 =	sshll.u32 s1, $0xD;
	s1 =	sshrl.u32 s1, $0x2  }
0xbe: {  	s3 =	sand.u32 $0x4000, s31;
	s1 =	sadd.s32 s1, s30  }
0xbf: {  	s0 =	sor.u32 s3, s0;
	s1 =	sshll.u32 s1, $0x11  }
0xc0: {  	s0 =	sor.u32 s1, s0  }
0xc1: {  	s0 =	sadd.s32 $0x8F2B, s0  }
0xc2: {  	[sflag:s0] =	ssyncadd.remote.s32 $0x1  }
0xc3: {  	_ =	sfence.sel $0xFFFF  }
0xc4: {  	[dreg:$0x0] =	wrdreg $0xFFFFFFFF;
	(pc) =	sbr.abs _section_cstart, $3  }
0xc5: {  	[dreg:$0x1] =	wrdreg $0xFFFFFFFF  }
0xc6: {  	_ =	task.clear_ibuf [dreg:s9], $0x2FFFF;
	_ =	strace $0x9FFFFFFF  }
0xc7: {  	(tm) =	ssettm $0x7FFFFFFF  }
tec
execute0_lowered:
.L_overlay_start_1:
0x0: {  	(tag) =	ssettag $0x1  }
0x1: {  	s0 =	rddreg [dreg:$0x0]  }
0x2: {  	s1 =	rddreg [dreg:$0x1]  }
0x3: {  	s2 =	rddreg [dreg:$0x2]  }
0x4: {  	s5 =	rddreg [dreg:$0x3]  }
0x5: {  	s3 =	rddreg [dreg:$0x4]  }
0x6: {  	s4 =	simm.s32 $0x0;
	s6 =	srdreg.scid;
	s15 =	stileid.u32  }
0x7: {  	s28 =	simm.s32 $0x1;
	s29 =	simm.s32 $0x3;
	s10 =	smul.u32 $0x2710, s15  }
0x8: {  	s30 =	simm.s32 $0x5;
	s31 =	simm.s32 $0x2;
	s12 =	smul.u32 $0x138800, s15  }
0x9: {  	[smem:$0x7FF] =	sst s4;
	s7 =	sadd.s32 $0x272C00, s0;
	s22 =	smul.u32 $0x4E000, s15  }
0xa: {  	s9 =	sand.u32 $0x1, s6;
	s8 =	sadd.s32 $0x299E00, s0;
	s14 =	smul.u32 $0x13800, s15  }
0xb: {  	p0 =	sne.s32 s15, $0x0;
	s6 =	smul.u32 $0x1388000, s9;
	s11 =	ssub.s32 $0x2, s9  }
0xc: {  	_ =	strace $0x80000047;
	s18 =	sshrl.u32 s11, $0x1;
	s13 =	sshrl.u32 s10, $0x3  }
0xd: {  	s0 =	ssub.s32 s11, s18;
	s19 =	sadd.s32 s1, s13;
	s20 =	sadd.s32 s12, s6  }
0xe: {  	s21 =	sadd.s32 s2, s13;
	s12 =	sadd.s32 $0x50, s10;
	[dreg:$0x6] =	wrdreg s19  }
0xf: {  	[dreg:$0x7] =	wrdreg s21;
	s11 =	sshrl.u32 s20, $0x3;
	s0 =	smax.u32 s0, $0x1  }
0x10: {  	s23 =	sshrl.u32 s12, $0x3;
	s11 =	sadd.s32 s8, s11;
	[dreg:$0x13] =	wrdreg s0  }
0x11: {  	s9 =	smul.u32 $0x138800, s9;
	s16 =	sadd.s32 s1, s23;
	[dreg:$0x8] =	wrdreg s11  }
0x12: {  	s13 =	sshrl.u32 s22, $0x2;
	[dreg:$0x9] =	wrdreg s16;
	s11 =	sadd.s32 s2, s23  }
0x13: {  	s15 =	simm.s32 $0x0;
	s16 =	sadd.s32 s13, s3;
	[dreg:$0xa] =	wrdreg s11  }
0x14: {  	s26 =	sadd.s32 s14, s9;
	s24 =	sadd.s32 $0x1800, s16;
	[dreg:$0xb] =	wrdreg s16  }
0x15: {  	s9 =	sshrl.u32 s9, $0x3;
	s25 =	sadd.s32 $0x3000, s16;
	[dreg:$0xc] =	wrdreg s24  }
0x16: {  	s22 =	sadd.s32 $0xA0, s10;
	s13 =	sadd.s32 $0x4800, s16;
	[dreg:$0xd] =	wrdreg s25  }
0x17: {  	s0 =	simm.s32 $0x4;
	s14 =	sadd.s32 $0x6000, s16;
	[dreg:$0xe] =	wrdreg s13  }
0x18: {  	s23 =	sadd.s32 $0xF0, s10;
	s17 =	sadd.s32 $0x7800, s16;
	[dreg:$0xf] =	wrdreg s14  }
0x19: {  	s10 =	simm.s32 $0x13880;
	s18 =	sadd.s32 $0x9000, s16;
	[dreg:$0x10] =	wrdreg s17  }
0x1a: {  	s11 =	sshrl.u32 s26, $0x3;
	s19 =	sadd.s32 $0xA800, s16;
	[dreg:$0x14] =	wrdreg s18  }
0x1b: {  	s20 =	sadd.s32 $0xC000, s16;
	s21 =	sadd.s32 $0xD800, s16;
	[dreg:$0x15] =	wrdreg s19  }
0x1c: {  	s26 =	sadd.s32 $0x12000, s16;
	s11 =	sadd.s32 s5, s11;
	[dreg:$0x16] =	wrdreg s20  }
0x1d: {  	s5 =	sadd.s32 s5, s9;
	[dreg:$0x17] =	wrdreg s21;
	s24 =	sadd.s32 $0xF000, s16  }
0x1e: {  	s25 =	sadd.s32 $0x10800, s16;
	[dreg:$0x1a] =	wrdreg s26;
	s20 =	sadd.s32 $0x138000, s3  }
0x1f: {  	s13 =	simm.s32 $0x13980;
	s14 =	simm.s32 $0x50;
	[dreg:$0x11] =	wrdreg s11  }
0x20: {  	s17 =	simm.s32 $0x18A80;
	s18 =	simm.s32 $0x13900;
	[dreg:$0x18] =	wrdreg s24  }
0x21: {  	s19 =	simm.s32 $0x13A00;
	s26 =	simm.s32 $0x1B280;
	[dreg:$0x19] =	wrdreg s25  }
0x22: {  	s21 =	simm.s32 $0x0;
	s5 =	sadd.s32 $0x27000, s5;
	[dreg:$0x1b] =	wrdreg s20  }
0x23: {  	v0 =	vimm.f32 $0.0e+00;
	s11 =	simm.s32 $0x8;
	s24 =	simm.s32 $0x6;
	[dreg:$0x12] =	wrdreg s5  }
.LBB2_1:
0x24: {  	[dreg:$0x1c] =	wrdreg s15  }
0x25: {  	s5 =	rddreg [dreg:$0x6]  }
0x26: {  	[tilespmem:s10], [sflag:$0x8] =	stream.linear.gather [hbm4b:s5+s4], $0x50, $0x38;
	[tilespmem:$0x1F280] =	vst v63  }
0x27: {  	_ =	swait.ge [sflag:s11], $0x50  }
0x28: {  	[sflag:s11] =	ssyncset.done $0x0  }
0x29: {  	s15 =	rddreg [dreg:$0x7];
	[sflag:s11] =	ssyncadd.s32 $0xFFFFFFB0  }
0x2a: {  	[tilespmem:s13], [sflag:$0x8] =	stream.linear.gather [hbm4b:s15+s4], $0x50, $0x38;
	[tilespmem:$0x1F280] =	vst v63  }
0x2b: {  	_ =	swait.ge [sflag:s11], $0x50  }
0x2c: {  	[sflag:s11] =	ssyncset.done $0x0  }
0x2d: {  	s25 =	simm.s32 $0x13A80;
	[sflag:s11] =	ssyncadd.s32 $0xFFFFFFB0  }
0x2e: {  	[tilespmem:s25], [sflag:$0x1] =	stream.indirect.gather [hbm4b:s7+s14], $0x80, s10, s14, $0xb8;
	[tilespmem:$0x1F280] =	vst v63  }
0x2f: {  	s9 =	rddreg [dreg:$0x8]  }
0x30: {  	[tilespmem:s17], [sflag:$0x3] =	stream.linear.gather [hbm4b:s9+s4], $0x2800, $0x38;
	[tilespmem:$0x1F280] =	vst v63  }
0x31: {  	s15 =	rddreg [dreg:$0x9]  }
0x32: {  	[tilespmem:s18], [sflag:$0x6] =	stream.linear.gather [hbm4b:s15+s4], $0x50, $0x38;
	[tilespmem:$0x1F280] =	vst v63  }
0x33: {  	s5 =	simm.s32 $0x0;
	s25 =	rddreg [dreg:$0xa];
	s9 =	simm.s32 $0x200  }
0x34: {  	[tilespmem:s19], [sflag:$0x6] =	stream.linear.gather [hbm4b:s25+s4], $0x50, $0x38;
	[tilespmem:$0x1F280] =	vst v63  }
.LBB2_2:
0x35: {  	p1 =	sne.s32 s9, $0x5E00;
	[tilespmem:s5+$0x1DAF0] =	vst v0  }
0x36: {  	[tilespmem:s5+$0x1DA80] =	vst v0  }
0x37: {  	[tilespmem:s5+$0x1DA90] =	vst v0  }
.Ltmp0:
0x38: {  	[tilespmem:s5+$0x1DAA0] =	vst v0;
	(pc) =	sbr.rel @p1 .LBB2_2-.Ltmp0, $4  }
0x39: {  	[tilespmem:s5+$0x1DAB0] =	vst v0  }
0x3a: {  	[tilespmem:s5+$0x1DAC0] =	vst v0  }
0x3b: {  	[tilespmem:s5+$0x1DAD0] =	vst v0  }
0x3c: {  	[tilespmem:s5+$0x1DAE0] =	vst v0;
	s5 =	sshra.s32 s9, $0x2;
	s9 =	sadd.s32 $0x200, s9  }
0x3d: {  	[tilespmem:s5+$0x1DAF0] =	vst v0  }
0x3e: {  	[tilespmem:s5+$0x1DA80] =	vst v0  }
0x3f: {  	[tilespmem:s5+$0x1DA90] =	vst v0  }
0x40: {  	[tilespmem:s5+$0x1DAA0] =	vst v0  }
0x41: {  	[tilespmem:s5+$0x1DAB0] =	vst v0  }
0x42: {  	[tilespmem:s5+$0x1DAC0] =	vst v0  }
0x43: {  	[tilespmem:s5+$0x1DAD0] =	vst v0  }
0x44: {  	[tilespmem:s5+$0x1DAE0] =	vst v0;
	s9 =	simm.s32 $0x1DA80  }
0x45: {  	[spmem:s16] =	stream.linear.scatter [tilespmem:s9], [sflag:$0x7], $0x1800, $0x38;
	[tilespmem:$0x1F280] =	vst v63  }
0x46: {  	s25 =	rddreg [dreg:$0xc]  }
0x47: {  	[spmem:s25] =	stream.linear.scatter [tilespmem:s9], [sflag:$0x7], $0x1800, $0x38;
	[tilespmem:$0x1F280] =	vst v63  }
0x48: {  	s15 =	rddreg [dreg:$0xd]  }
0x49: {  	[spmem:s15] =	stream.linear.scatter [tilespmem:s9], [sflag:$0x7], $0x1800, $0x38;
	[tilespmem:$0x1F280] =	vst v63  }
0x4a: {  	s16 =	rddreg [dreg:$0xe]  }
0x4b: {  	[spmem:s16] =	stream.linear.scatter [tilespmem:s9], [sflag:$0x7], $0x1800, $0x38;
	[tilespmem:$0x1F280] =	vst v63  }
0x4c: {  	s25 =	rddreg [dreg:$0xf]  }
0x4d: {  	[spmem:s25] =	stream.linear.scatter [tilespmem:s9], [sflag:$0x7], $0x1800, $0x38;
	[tilespmem:$0x1F280] =	vst v63  }
0x4e: {  	s15 =	rddreg [dreg:$0x10]  }
0x4f: {  	[spmem:s15] =	stream.linear.scatter [tilespmem:s9], [sflag:$0x7], $0x1800, $0x38;
	[tilespmem:$0x1F280] =	vst v63  }
0x50: {  	s16 =	rddreg [dreg:$0x14]  }
0x51: {  	[spmem:s16] =	stream.linear.scatter [tilespmem:s9], [sflag:$0x7], $0x1800, $0x38;
	[tilespmem:$0x1F280] =	vst v63  }
0x52: {  	s25 =	rddreg [dreg:$0x15]  }
0x53: {  	[spmem:s25] =	stream.linear.scatter [tilespmem:s9], [sflag:$0x7], $0x1800, $0x38;
	[tilespmem:$0x1F280] =	vst v63  }
0x54: {  	s15 =	rddreg [dreg:$0x16]  }
0x55: {  	[spmem:s15] =	stream.linear.scatter [tilespmem:s9], [sflag:$0x7], $0x1800, $0x38;
	[tilespmem:$0x1F280] =	vst v63  }
0x56: {  	s16 =	rddreg [dreg:$0x17]  }
0x57: {  	[spmem:s16] =	stream.linear.scatter [tilespmem:s9], [sflag:$0x7], $0x1800, $0x38;
	[tilespmem:$0x1F280] =	vst v63  }
0x58: {  	s25 =	rddreg [dreg:$0x18]  }
0x59: {  	[spmem:s25] =	stream.linear.scatter [tilespmem:s9], [sflag:$0x7], $0x1800, $0x38;
	[tilespmem:$0x1F280] =	vst v63  }
0x5a: {  	s15 =	rddreg [dreg:$0x19]  }
0x5b: {  	[spmem:s15] =	stream.linear.scatter [tilespmem:s9], [sflag:$0x7], $0x1800, $0x38;
	[tilespmem:$0x1F280] =	vst v63  }
0x5c: {  	s16 =	rddreg [dreg:$0x1a];
	s25 =	simm.s32 $0x7  }
0x5d: {  	[spmem:s16] =	stream.linear.scatter [tilespmem:s9], [sflag:$0x7], $0x1800, $0x38;
	[tilespmem:$0x1F280] =	vst v63  }
0x5e: {  	_ =	swait.ge [sflag:s25], $0x1800  }
0x5f: {  	[sflag:s25] =	ssyncset.done $0x0  }
0x60: {  	[sflag:s25] =	ssyncadd.s32 $0xFFFFE800  }
0x61: {  	_ =	swait.ge [sflag:s25], $0x1800  }
0x62: {  	[sflag:s25] =	ssyncset.done $0x0  }
0x63: {  	[sflag:s25] =	ssyncadd.s32 $0xFFFFE800  }
0x64: {  	_ =	swait.ge [sflag:s25], $0x1800  }
0x65: {  	[sflag:s25] =	ssyncset.done $0x0  }
0x66: {  	[sflag:s25] =	ssyncadd.s32 $0xFFFFE800  }
0x67: {  	_ =	swait.ge [sflag:s25], $0x1800  }
0x68: {  	[sflag:s25] =	ssyncset.done $0x0  }
0x69: {  	[sflag:s25] =	ssyncadd.s32 $0xFFFFE800  }
0x6a: {  	_ =	swait.ge [sflag:s25], $0x1800  }
0x6b: {  	[sflag:s25] =	ssyncset.done $0x0  }
0x6c: {  	[sflag:s25] =	ssyncadd.s32 $0xFFFFE800  }
0x6d: {  	_ =	swait.ge [sflag:s25], $0x1800  }
0x6e: {  	[sflag:s25] =	ssyncset.done $0x0  }
0x6f: {  	[sflag:s25] =	ssyncadd.s32 $0xFFFFE800  }
0x70: {  	_ =	swait.ge [sflag:s25], $0x1800  }
0x71: {  	[sflag:s25] =	ssyncset.done $0x0  }
0x72: {  	[sflag:s25] =	ssyncadd.s32 $0xFFFFE800  }
0x73: {  	_ =	swait.ge [sflag:s25], $0x1800  }
0x74: {  	[sflag:s25] =	ssyncset.done $0x0  }
0x75: {  	[sflag:s25] =	ssyncadd.s32 $0xFFFFE800  }
0x76: {  	_ =	swait.ge [sflag:s25], $0x1800  }
0x77: {  	[sflag:s25] =	ssyncset.done $0x0  }
0x78: {  	[sflag:s25] =	ssyncadd.s32 $0xFFFFE800  }
0x79: {  	_ =	swait.ge [sflag:s25], $0x1800  }
0x7a: {  	[sflag:s25] =	ssyncset.done $0x0  }
0x7b: {  	[sflag:s25] =	ssyncadd.s32 $0xFFFFE800  }
0x7c: {  	_ =	swait.ge [sflag:s25], $0x1800  }
0x7d: {  	[sflag:s25] =	ssyncset.done $0x0  }
0x7e: {  	[sflag:s25] =	ssyncadd.s32 $0xFFFFE800  }
0x7f: {  	_ =	swait.ge [sflag:s25], $0x1800  }
0x80: {  	[sflag:s25] =	ssyncset.done $0x0  }
0x81: {  	[sflag:s25] =	ssyncadd.s32 $0xFFFFE800  }
0x82: {  	_ =	swait.ge [sflag:s25], $0x1800  }
0x83: {  	[sflag:s25] =	ssyncset.done $0x0  }
0x84: {  	s5 =	simm.s32 @!p0 $0x1DA80;
	[sflag:s25] =	ssyncadd.s32 $0xFFFFE800  }
0x85: {  	[spmem:s20] =	stream.linear.scatter @!p0 [tilespmem:s5], [sflag:$0x8], $0x800, $0x38;
	[tilespmem:$0x1F280] =	vst v63  }
0x86: {  	s5 =	simm.s32 @!p0 $0x8  }
0x87: {  	_ =	swait.ge @!p0 [sflag:s5], $0x800  }
0x88: {  	[sflag:s5] =	ssyncset.done @!p0 $0x0  }
0x89: {  	[sflag:s5] =	ssyncadd.s32 @!p0 $0xFFFFF800  }
0x8a: {  	s15 =	simm.s32 $0x0;
	s9 =	simm.s32 $0x0;
	[bflag:$0x0] =	sbarrier.arrive $0xFFFF  }
.LBB2_4:
0x8b: {  	_ =	swait.ge [sflag:s24], $0x50  }
0x8c: {  	[sflag:s24] =	ssyncset.done $0x0  }
0x8d: {  	[sflag:s24] =	ssyncadd.s32 $0xFFFFFFB0  }
0x8e: {  	s20 =	smul.u32 $0xA0, s15;
	_ =	swait.ge [sflag:s24], $0x50  }
0x8f: {  	[sflag:s24] =	ssyncset.done $0x0  }
0x90: {  	s5 =	simm.s32 $0x16280;
	s25 =	sadd.s32 s20, s12;
	[sflag:s24] =	ssyncadd.s32 $0xFFFFFFB0  }
0x91: {  	[tilespmem:s5], [sflag:$0x2] =	stream.indirect.gather [hbm4b:s7+s14], $0x80, s18, s14, $0xb8;
	[tilespmem:$0x1F280] =	vst v63  }
0x92: {  	s5 =	sshll.u32 s25, $0x7  }
0x93: {  	s5 =	sadd.s32 s6, s5  }
0x94: {  	s5 =	sshrl.u32 s5, $0x3  }
0x95: {  	s5 =	sadd.s32 s8, s5  }
0x96: {  	[tilespmem:s26], [sflag:$0x4] =	stream.linear.gather [hbm4b:s5+s9], $0x2800, $0x38;
	[tilespmem:$0x1F280] =	vst v63  }
0x97: {  	_ =	swait.ge [sflag:s28], $0x2800  }
0x98: {  	[sflag:s28] =	ssyncset.done $0x0  }
0x99: {  	[sflag:s28] =	ssyncadd.s32 $0xFFFFD800  }
0x9a: {  	_ =	swait.ge [sflag:s29], $0x2800  }
0x9b: {  	[sflag:s29] =	ssyncset.done $0x0  }
0x9c: {  	s5 =	simm.s32 $0x0;
	[sflag:s29] =	ssyncadd.s32 $0xFFFFD800  }
0x9d: {  	v4 =	vld [tilespmem:s5+$0x13A80]  }
0x9e: {  	v3 =	vld [tilespmem:s5+$0x13A90]  }
0x9f: {  	v2 =	vld [tilespmem:s5+$0x13AA0]  }
0xa0: {  	v1 =	vld [tilespmem:s5+$0x13AB0]  }
0xa1: {  	v6 =	vld [tilespmem:s5+$0x18A80]  }
0xa2: {  	v10 =	vld [tilespmem:s5+$0x18A90]  }
0xa3: {  	v9 =	vld [tilespmem:s5+$0x18AA0]  }
0xa4: {  	v8 =	vld [tilespmem:s5+$0x18AB0]  }
0xa5: {  	v7 =	vld [tilespmem:s5+$0x18AC0]  }
0xa6: {  	v5 =	vld [tilespmem:s5+$0x18AD0];
	v11 =	vmul.f32 v6, v4  }
0xa7: {  	s25 =	simm.s32 $0x200;
	v10 =	vmul.f32 v10, v3;
	v6 =	vld [tilespmem:s5+$0x18AE0]  }
.LBB2_5:
0xa8: {  	s16 =	sshra.s32 s25, $0x2;
	p1 =	sne.s32 s25, $0x9E00;
	[tilespmem:s5+$0x18A80] =	vst v11;
	v9 =	vmul.f32 v9, v2;
	v11 =	vld [tilespmem:s5+$0x18AF0]  }
0xa9: {  	v12 =	vld [tilespmem:s16+$0x13A80];
	[tilespmem:s5+$0x18A90] =	vst v10;
	v8 =	vmul.f32 v8, v1  }
0xaa: {  	v10 =	vld [tilespmem:s16+$0x13A90];
	[tilespmem:s5+$0x18AA0] =	vst v9;
	v4 =	vmul.f32 v7, v4  }
0xab: {  	v7 =	vld [tilespmem:s16+$0x13AA0];
	[tilespmem:s5+$0x18AB0] =	vst v8;
	v3 =	vmul.f32 v5, v3  }
0xac: {  	v5 =	vld [tilespmem:s16+$0x13AB0];
	[tilespmem:s5+$0x18AC0] =	vst v4;
	v2 =	vmul.f32 v6, v2  }
0xad: {  	v6 =	vld [tilespmem:s16+$0x18A80];
	[tilespmem:s5+$0x18AD0] =	vst v3;
	v1 =	vmul.f32 v11, v1  }
0xae: {  	v13 =	vld [tilespmem:s16+$0x18A90];
	[tilespmem:s5+$0x18AE0] =	vst v2;
	v4 =	vmov v12  }
.Ltmp1:
0xaf: {  	v9 =	vld [tilespmem:s16+$0x18AA0];
	[tilespmem:s5+$0x18AF0] =	vst v1;
	v3 =	vmov v10;
	s5 =	smov.u32 s16;
	(pc) =	sbr.rel @p1 .LBB2_5-.Ltmp1, $4  }
0xb0: {  	v8 =	vld [tilespmem:s5+$0x18AB0];
	v2 =	vmov v7  }
0xb1: {  	v7 =	vld [tilespmem:s5+$0x18AC0];
	v1 =	vmov v5  }
0xb2: {  	v11 =	vmul.f32 v6, v4;
	v5 =	vld [tilespmem:s5+$0x18AD0]  }
0xb3: {  	s25 =	sadd.s32 $0x200, s25;
	v10 =	vmul.f32 v13, v3;
	v6 =	vld [tilespmem:s5+$0x18AE0]  }
0xb4: {  	[tilespmem:s5+$0x18A80] =	vst v11;
	v9 =	vmul.f32 v9, v2;
	v11 =	vld [tilespmem:s5+$0x18AF0]  }
0xb5: {  	[tilespmem:s5+$0x18A90] =	vst v10;
	v8 =	vmul.f32 v8, v1  }
0xb6: {  	[tilespmem:s5+$0x18AA0] =	vst v9;
	v4 =	vmul.f32 v7, v4  }
0xb7: {  	[tilespmem:s5+$0x18AB0] =	vst v8;
	v3 =	vmul.f32 v5, v3  }
0xb8: {  	[tilespmem:s5+$0x18AC0] =	vst v4;
	v2 =	vmul.f32 v6, v2  }
0xb9: {  	[tilespmem:s5+$0x18AD0] =	vst v3;
	v1 =	vmul.f32 v11, v1  }
0xba: {  	[tilespmem:s5+$0x18AE0] =	vst v2  }
0xbb: {  	[tilespmem:s5+$0x18AF0] =	vst v1  }
0xbc: {  	[spmem:s3] =	stream.indirect.scatter.add.f32 [tilespmem:s17], [sflag:$0x8], $0x80, s13, s14, $0xb8;
	[tilespmem:$0x1F280] =	vst v63  }
0xbd: {  	s5 =	sadd.s32 s20, s22;
	_ =	swait.ge [sflag:s11], $0x2800  }
0xbe: {  	s16 =	sshrl.u32 s5, $0x3;
	[sflag:s11] =	ssyncset.done $0x0  }
0xbf: {  	s25 =	sadd.s32 s1, s16;
	[sflag:s11] =	ssyncadd.s32 $0xFFFFD800  }
0xc0: {  	[tilespmem:s10], [sflag:$0x5] =	stream.linear.gather [hbm4b:s25+s21], $0x50, $0x38;
	[tilespmem:$0x1F280] =	vst v63  }
0xc1: {  	s16 =	sadd.s32 s2, s16  }
0xc2: {  	[tilespmem:s13], [sflag:$0x5] =	stream.linear.gather [hbm4b:s16+s21], $0x50, $0x38;
	[tilespmem:$0x1F280] =	vst v63  }
0xc3: {  	_ =	swait.ge [sflag:s30], $0x50  }
0xc4: {  	[sflag:s30] =	ssyncset.done $0x0  }
0xc5: {  	[sflag:s30] =	ssyncadd.s32 $0xFFFFFFB0  }
0xc6: {  	s5 =	sshll.u32 s5, $0x7;
	_ =	swait.ge [sflag:s30], $0x50  }
0xc7: {  	s5 =	sadd.s32 s6, s5;
	[sflag:s30] =	ssyncset.done $0x0  }
0xc8: {  	s5 =	sshrl.u32 s5, $0x3;
	s25 =	simm.s32 $0x13A80;
	[sflag:s30] =	ssyncadd.s32 $0xFFFFFFB0  }
0xc9: {  	[tilespmem:s25], [sflag:$0x1] =	stream.indirect.gather [hbm4b:s7+s14], $0x80, s10, s14, $0xb8;
	[tilespmem:$0x1F280] =	vst v63  }
0xca: {  	s5 =	sadd.s32 s8, s5  }
0xcb: {  	[tilespmem:s17], [sflag:$0x3] =	stream.linear.gather [hbm4b:s5+s21], $0x2800, $0x38;
	[tilespmem:$0x1F280] =	vst v63  }
0xcc: {  	_ =	swait.ge [sflag:s31], $0x2800  }
0xcd: {  	[sflag:s31] =	ssyncset.done $0x0  }
0xce: {  	[sflag:s31] =	ssyncadd.s32 $0xFFFFD800  }
0xcf: {  	_ =	swait.ge [sflag:s0], $0x2800  }
0xd0: {  	[sflag:s0] =	ssyncset.done $0x0  }
0xd1: {  	s5 =	simm.s32 $0x0;
	[sflag:s0] =	ssyncadd.s32 $0xFFFFD800  }
0xd2: {  	v4 =	vld [tilespmem:s5+$0x16280]  }
0xd3: {  	v3 =	vld [tilespmem:s5+$0x16290]  }
0xd4: {  	v2 =	vld [tilespmem:s5+$0x162A0]  }
0xd5: {  	v1 =	vld [tilespmem:s5+$0x162B0]  }
0xd6: {  	v6 =	vld [tilespmem:s5+$0x1B280]  }
0xd7: {  	v10 =	vld [tilespmem:s5+$0x1B290]  }
0xd8: {  	v9 =	vld [tilespmem:s5+$0x1B2A0]  }
0xd9: {  	v8 =	vld [tilespmem:s5+$0x1B2B0]  }
0xda: {  	v7 =	vld [tilespmem:s5+$0x1B2C0]  }
0xdb: {  	v5 =	vld [tilespmem:s5+$0x1B2D0];
	v11 =	vmul.f32 v6, v4  }
0xdc: {  	s25 =	simm.s32 $0x200;
	v10 =	vmul.f32 v10, v3;
	v6 =	vld [tilespmem:s5+$0x1B2E0]  }
.LBB2_7:
0xdd: {  	s16 =	sshra.s32 s25, $0x2;
	p1 =	sne.s32 s25, $0x9E00;
	[tilespmem:s5+$0x1B280] =	vst v11;
	v9 =	vmul.f32 v9, v2;
	v11 =	vld [tilespmem:s5+$0x1B2F0]  }
0xde: {  	v12 =	vld [tilespmem:s16+$0x16280];
	[tilespmem:s5+$0x1B290] =	vst v10;
	v8 =	vmul.f32 v8, v1  }
0xdf: {  	v10 =	vld [tilespmem:s16+$0x16290];
	[tilespmem:s5+$0x1B2A0] =	vst v9;
	v4 =	vmul.f32 v7, v4  }
0xe0: {  	v7 =	vld [tilespmem:s16+$0x162A0];
	[tilespmem:s5+$0x1B2B0] =	vst v8;
	v3 =	vmul.f32 v5, v3  }
0xe1: {  	v5 =	vld [tilespmem:s16+$0x162B0];
	[tilespmem:s5+$0x1B2C0] =	vst v4;
	v2 =	vmul.f32 v6, v2  }
0xe2: {  	v6 =	vld [tilespmem:s16+$0x1B280];
	[tilespmem:s5+$0x1B2D0] =	vst v3;
	v1 =	vmul.f32 v11, v1  }
0xe3: {  	v13 =	vld [tilespmem:s16+$0x1B290];
	[tilespmem:s5+$0x1B2E0] =	vst v2;
	v4 =	vmov v12  }
.Ltmp2:
0xe4: {  	v9 =	vld [tilespmem:s16+$0x1B2A0];
	[tilespmem:s5+$0x1B2F0] =	vst v1;
	v3 =	vmov v10;
	s5 =	smov.u32 s16;
	(pc) =	sbr.rel @p1 .LBB2_7-.Ltmp2, $4  }
0xe5: {  	v8 =	vld [tilespmem:s5+$0x1B2B0];
	v2 =	vmov v7  }
0xe6: {  	v7 =	vld [tilespmem:s5+$0x1B2C0];
	v1 =	vmov v5  }
0xe7: {  	v11 =	vmul.f32 v6, v4;
	v5 =	vld [tilespmem:s5+$0x1B2D0]  }
0xe8: {  	s25 =	sadd.s32 $0x200, s25;
	v10 =	vmul.f32 v13, v3;
	v6 =	vld [tilespmem:s5+$0x1B2E0]  }
0xe9: {  	[tilespmem:s5+$0x1B280] =	vst v11;
	v9 =	vmul.f32 v9, v2;
	v63 =	vld [tilespmem:s5+$0x1B2F0]  }
0xea: {  	[tilespmem:s5+$0x1B290] =	vst v10;
	v8 =	vmul.f32 v8, v1  }
0xeb: {  	[tilespmem:s5+$0x1B2A0] =	vst v9;
	v4 =	vmul.f32 v7, v4  }
0xec: {  	[tilespmem:s5+$0x1B2B0] =	vst v8;
	v3 =	vmul.f32 v5, v3  }
0xed: {  	[tilespmem:s5+$0x1B2C0] =	vst v4;
	v2 =	vmul.f32 v6, v2  }
0xee: {  	[tilespmem:s5+$0x1B2D0] =	vst v3;
	v1 =	vmul.f32 v63, v1  }
0xef: {  	p1 =	seq.s32 s15, $0x3D;
	[tilespmem:s5+$0x1B2E0] =	vst v2  }
.Ltmp3:
0xf0: {  	[tilespmem:s5+$0x1B2F0] =	vst v1;
	(pc) =	sbr.rel @p1 .LBB2_10-.Ltmp3, $4  }
0xf1: {  	[spmem:s3] =	stream.indirect.scatter.add.f32 [tilespmem:s26], [sflag:$0x8], $0x80, s19, s14, $0xb8;
	[tilespmem:$0x1F280] =	vst v63  }
0xf2: {  	_ =	swait.ge [sflag:s11], $0x2800  }
0xf3: {  	[sflag:s11] =	ssyncset.done $0x0  }
0xf4: {  	[sflag:s11] =	ssyncadd.s32 $0xFFFFD800  }
0xf5: {  	s5 =	sadd.s32 s20, s23  }
.Ltmp4:
0xf6: {  	s5 =	sshrl.u32 s5, $0x3;
	(pc) =	sbr.rel .LBB2_4-.Ltmp4, $4  }
0xf7: {  	s16 =	sadd.s32 s1, s5  }
0xf8: {  	[tilespmem:s18], [sflag:$0x6] =	stream.linear.gather [hbm4b:s16+s4], $0x50, $0x38;
	[tilespmem:$0x1F280] =	vst v63  }
0xf9: {  	s15 =	sadd.s32 $0x1, s15;
	s5 =	sadd.s32 s2, s5  }
0xfa: {  	[tilespmem:s19], [sflag:$0x6] =	stream.linear.gather [hbm4b:s5+s4], $0x50, $0x38;
	[tilespmem:$0x1F280] =	vst v63  }
.LBB2_10:
0xfb: {  	_ =	swait.ge [sflag:s28], $0x2800  }
0xfc: {  	[sflag:s28] =	ssyncset.done $0x0  }
0xfd: {  	[sflag:s28] =	ssyncadd.s32 $0xFFFFD800  }
0xfe: {  	_ =	swait.ge [sflag:s29], $0x2800  }
0xff: {  	[sflag:s29] =	ssyncset.done $0x0  }
0x100: {  	s5 =	simm.s32 $0x0;
	[sflag:s29] =	ssyncadd.s32 $0xFFFFD800  }
0x101: {  	v4 =	vld [tilespmem:s5+$0x13A80]  }
0x102: {  	v3 =	vld [tilespmem:s5+$0x13A90]  }
0x103: {  	v2 =	vld [tilespmem:s5+$0x13AA0]  }
0x104: {  	v1 =	vld [tilespmem:s5+$0x13AB0]  }
0x105: {  	v6 =	vld [tilespmem:s5+$0x18A80]  }
0x106: {  	v10 =	vld [tilespmem:s5+$0x18A90]  }
0x107: {  	v9 =	vld [tilespmem:s5+$0x18AA0]  }
0x108: {  	v8 =	vld [tilespmem:s5+$0x18AB0]  }
0x109: {  	v7 =	vld [tilespmem:s5+$0x18AC0]  }
0x10a: {  	v5 =	vld [tilespmem:s5+$0x18AD0];
	v11 =	vmul.f32 v6, v4  }
0x10b: {  	s9 =	simm.s32 $0x200;
	v10 =	vmul.f32 v10, v3;
	v6 =	vld [tilespmem:s5+$0x18AE0]  }
.LBB2_11:
0x10c: {  	s15 =	sshra.s32 s9, $0x2;
	p1 =	sne.s32 s9, $0x9E00;
	[tilespmem:s5+$0x18A80] =	vst v11;
	v9 =	vmul.f32 v9, v2;
	v11 =	vld [tilespmem:s5+$0x18AF0]  }
0x10d: {  	v12 =	vld [tilespmem:s15+$0x13A80];
	[tilespmem:s5+$0x18A90] =	vst v10;
	v8 =	vmul.f32 v8, v1  }
0x10e: {  	v10 =	vld [tilespmem:s15+$0x13A90];
	[tilespmem:s5+$0x18AA0] =	vst v9;
	v4 =	vmul.f32 v7, v4  }
0x10f: {  	v7 =	vld [tilespmem:s15+$0x13AA0];
	[tilespmem:s5+$0x18AB0] =	vst v8;
	v3 =	vmul.f32 v5, v3  }
0x110: {  	v5 =	vld [tilespmem:s15+$0x13AB0];
	[tilespmem:s5+$0x18AC0] =	vst v4;
	v2 =	vmul.f32 v6, v2  }
0x111: {  	v6 =	vld [tilespmem:s15+$0x18A80];
	[tilespmem:s5+$0x18AD0] =	vst v3;
	v1 =	vmul.f32 v11, v1  }
0x112: {  	v13 =	vld [tilespmem:s15+$0x18A90];
	[tilespmem:s5+$0x18AE0] =	vst v2;
	v4 =	vmov v12  }
.Ltmp5:
0x113: {  	v9 =	vld [tilespmem:s15+$0x18AA0];
	[tilespmem:s5+$0x18AF0] =	vst v1;
	v3 =	vmov v10;
	s5 =	smov.u32 s15;
	(pc) =	sbr.rel @p1 .LBB2_11-.Ltmp5, $4  }
0x114: {  	v8 =	vld [tilespmem:s5+$0x18AB0];
	v2 =	vmov v7  }
0x115: {  	v7 =	vld [tilespmem:s5+$0x18AC0];
	v1 =	vmov v5  }
0x116: {  	v11 =	vmul.f32 v6, v4;
	v5 =	vld [tilespmem:s5+$0x18AD0]  }
0x117: {  	s9 =	sadd.s32 $0x200, s9;
	v10 =	vmul.f32 v13, v3;
	v6 =	vld [tilespmem:s5+$0x18AE0]  }
0x118: {  	[tilespmem:s5+$0x18A80] =	vst v11;
	v9 =	vmul.f32 v9, v2;
	v63 =	vld [tilespmem:s5+$0x18AF0]  }
0x119: {  	[tilespmem:s5+$0x18A90] =	vst v10;
	v8 =	vmul.f32 v8, v1  }
0x11a: {  	[tilespmem:s5+$0x18AA0] =	vst v9;
	v4 =	vmul.f32 v7, v4  }
0x11b: {  	[tilespmem:s5+$0x18AB0] =	vst v8;
	v3 =	vmul.f32 v5, v3  }
0x11c: {  	[tilespmem:s5+$0x18AC0] =	vst v4;
	v2 =	vmul.f32 v6, v2  }
0x11d: {  	[tilespmem:s5+$0x18AD0] =	vst v3;
	v1 =	vmul.f32 v63, v1  }
0x11e: {  	[tilespmem:s5+$0x18AE0] =	vst v2  }
0x11f: {  	[tilespmem:s5+$0x18AF0] =	vst v1  }
0x120: {  	[spmem:s3] =	stream.indirect.scatter.add.f32 [tilespmem:s17], [sflag:$0x8], $0x80, s13, s14, $0xb8;
	[tilespmem:$0x1F280] =	vst v63  }
0x121: {  	_ =	swait.ge [sflag:s11], $0x2800  }
0x122: {  	[sflag:s11] =	ssyncset.done $0x0  }
0x123: {  	[sflag:s11] =	ssyncadd.s32 $0xFFFFD800  }
0x124: {  	s25 =	stileid.u32;
	[bflag:$0x0] =	sbarrier.arrive $0xFFFF  }
0x125: {  	s5 =	sshll.u32 s25, $0x6;
	s16 =	rddreg [dreg:$0xb]  }
0x126: {  	s5 =	sor.u32 $0x1C08, s5;
	s15 =	rddreg [dreg:$0x11];
	s9 =	sshrl.u32 s16, $0x3  }
0x127: {  	[hbm:s15], [sflag:s5] =	dma.local [spmem:s9], $0x2700  }
0x128: {  	_ =	swait.ge [sflag:s11], $0x2700  }
0x129: {  	[sflag:s11] =	ssyncset.done $0x0;
	s20 =	rddreg [dreg:$0x1b]  }
0x12a: {  	s15 =	rddreg [dreg:$0x12];
	[sflag:s11] =	ssyncadd.s32 $0xFFFFD900;
	s9 =	sshrl.u32 @!p0 s20, $0x3  }
0x12b: {  	[hbm:s15], [sflag:s5] =	dma.local @!p0 [spmem:s9], $0x100  }
0x12c: {  	s5 =	simm.s32 @!p0 $0x8  }
0x12d: {  	_ =	swait.ge @!p0 [sflag:s5], $0x100  }
0x12e: {  	s9 =	rddreg [dreg:$0x1c]  }
0x12f: {  	s25 =	rddreg [dreg:$0x13];
	s15 =	sadd.s32 $0x1, s9  }
0x130: {  	p1 =	sne.s32 s15, s25  }
.Ltmp6:
0x131: {  	_ = 	snop;
	(pc) =	sbr.rel @p1 .LBB2_1-.Ltmp6, $3  }
0x132: {  	_ =	sdelay $0x1  }
0x133: {  	[sflag:s5] =	ssyncset.done @!p0 $0x0  }
0x134: {  	[sflag:s5] =	ssyncadd.s32 @!p0 $0xFFFFFF00  }
0x135: {  	_ =	sfence.sel $0x180000  }
0x136: {  	[bflag:$0x0] =	sbarrier.arrive $0xFFFF  }
0x137: {  	_ =	strace $0x90000047  }
0x138: {  	[bflag:$0x2] =	sbarrier.arrive $0xFFFF  }
0x139: {  	s0 =	rddreg [dreg:$0x5]  }
0x13a: {  	s0 =	sadd.s32 @!p0 $0x100000, s0  }
0x13b: {  	[sflag:s0] =	ssyncadd.tile.s32 @!p0 $0x1;
	_ =	shalt  }
.Lfunc_end2:
_tile_overlayer_lowered:
.L_overlay_start_2:
0x13c: {  	(tag) =	ssettag $0x2  }
0x13d: {  	s0 =	rddreg [dreg:$0x0];
	s2 =	stileid.u32  }
0x13e: {  	s1 =	rddreg [dreg:$0x1];
	p0 =	sne.s32 s2, $0x0  }
0x13f: {  	s3 =	rddreg [dreg:$0x2];
	[bflag:$0x3] =	sbarrier.arrive $0xFFFF;
	s2 =	simm.s32 @!p0 $0x1C08  }
0x140: {  	[timem:s3], [sflag:s2] =	dma.local @!p0 [hbm:s0], s1  }
0x141: {  	s0 =	simm.s32 @!p0 $0x8  }
0x142: {  	_ =	swait.ge @!p0 [sflag:s0], s1  }
0x143: {  	s1 =	ssub.s32 @!p0 $0x0, s1;
	[sflag:s0] =	ssyncset.done @!p0 $0x0  }
0x144: {  	[sflag:s0] =	ssyncadd.s32 @!p0 s1  }
0x145: {  	[bflag:$0x3] =	sbarrier.arrive $0xFFFF  }
0x146: {  	_ =	shalt  }

</sc_bundles>
